<compile_context>
chip_gen: v7x
topology: tpu7x:2x2x1
jax: 0.10.2.dev20260603
libtpu: 0.0.44.dev20260713+nightly
codegen_flags: <defaults>
</compile_context>

<pallas_src>
import functools

import jax
import jax.numpy as jnp
from jax import lax
from jax.experimental import pallas as pl
from jax.experimental.pallas import tpu as pltpu
from jax.experimental.pallas import tpu_sc as plsc

N = 10000
NP = 10240
D = 256
H = 256
C = 40
E = 160000
B = 128
E2 = 163840
PAD = E2 - E
ROWS = E2 // B
HR = ROWS // 32
MR = ROWS // 16
SLAB = NP // 16
HALF = H // 2

_mesh = plsc.VectorSubcoreMesh(core_axis_name="c", subcore_axis_name="s")



@functools.partial(
    pl.kernel,
    out_type=jax.ShapeDtypeStruct((2 * NP,), jnp.float32),
    mesh=_mesh,
    scratch_types=[
        pltpu.VMEM_SHARED((NP,), jnp.float32),
        pltpu.VMEM((SLAB,), jnp.float32),
        pltpu.VMEM((B,), jnp.float32),
        pltpu.VMEM((HR, B), jnp.int32),
        [pltpu.SemaphoreType.DMA] * 4,
    ],
)
def _hist_k(dst_hbm, degp_hbm, hist, zbuf, obuf, iall, hsems):
    c = lax.axis_index("c")
    s = lax.axis_index("s")
    wid = s * 2 + c
    zero16 = jnp.zeros((16,), jnp.float32)
    one16 = jnp.ones((16,), jnp.float32)
    for i in range(SLAB // 16):
        zbuf[pl.ds(i * 16, 16)] = zero16
    for i in range(B // 16):
        obuf[pl.ds(i * 16, 16)] = one16
    pltpu.sync_copy(zbuf, hist.at[pl.ds(s * SLAB, SLAB)])
    pltpu.sync_copy(dst_hbm.at[pl.ds(wid * HR, HR)], iall)
    plsc.subcore_barrier()

    def body(t, carry):
        for b in range(4):
            j = 4 * t + b

            @pl.when(t > 0)
            def _():
                pltpu.make_async_copy(obuf, hist.at[iall.at[0]],
                                      hsems[b]).wait()

            pltpu.async_copy(obuf, hist.at[iall.at[j]], hsems[b], add=True)
        return carry

    lax.fori_loop(0, HR // 4, body, 0)
    for b in range(4):
        pltpu.make_async_copy(obuf, hist.at[iall.at[0]], hsems[b]).wait()
    plsc.subcore_barrier()
    pltpu.sync_copy(hist.at[pl.ds(s * SLAB, SLAB)],
                    degp_hbm.at[pl.ds(c * NP + s * SLAB, SLAB)])



_NBUF = 2
_CH = MR // 2


@functools.partial(
    pl.kernel,
    out_type=jax.ShapeDtypeStruct((2 * NP, HALF), jnp.float32),
    mesh=_mesh,
    scratch_types=[
        pltpu.VMEM_SHARED((NP, HALF), jnp.float32),
        pltpu.VMEM((_CH, B), jnp.int32),
        pltpu.VMEM((_CH, B), jnp.int32),
        pltpu.VMEM((_NBUF, B, HALF), jnp.float32),
        [pltpu.SemaphoreType.DMA] * _NBUF,
        [pltpu.SemaphoreType.DMA] * _NBUF,
    ],
)
def _gs_k(y_hbm, src3_hbm, dst_hbm, out_hbm, acc, sall, dall, rbuf,
          gsems, ssems):
    c = lax.axis_index("c")
    s = lax.axis_index("s")
    base = s * MR

    def stage_idx(k):
        pltpu.sync_copy(src3_hbm.at[c, pl.ds(base + k * _CH, _CH)], sall)
        pltpu.sync_copy(dst_hbm.at[pl.ds(base + k * _CH, _CH)], dall)

    def start_gather(b, j):
        pltpu.async_copy(y_hbm.at[sall.at[j]], rbuf.at[b], gsems[b])

    def wait_gather(b):
        pltpu.make_async_copy(y_hbm.at[sall.at[0]], rbuf.at[b],
                              gsems[b]).wait()

    def start_scatter(b, j):
        pltpu.async_copy(rbuf.at[b], acc.at[dall.at[j]], ssems[b], add=True)

    def wait_scatter(b):
        pltpu.make_async_copy(rbuf.at[b], acc.at[dall.at[0]],
                              ssems[b]).wait()

    stage_idx(0)
    pltpu.sync_copy(y_hbm.at[pl.ds(c * NP + s * SLAB, SLAB)],
                    acc.at[pl.ds(s * SLAB, SLAB)])
    plsc.subcore_barrier()

    for k in range(MR // _CH):
        for b in range(_NBUF):
            start_gather(b, b)

        def body(t, carry):
            for b in range(_NBUF):
                j = _NBUF * t + b
                wait_gather(b)
                start_scatter(b, j)

                @pl.when(j < _CH - _NBUF)
                def _():
                    wait_scatter(b)
                    start_gather(b, j + _NBUF)

            return carry

        lax.fori_loop(0, _CH // _NBUF, body, 0)
        for b in range(_NBUF):
            wait_scatter(b)
        if k + 1 < MR // _CH:
            stage_idx(k + 1)

    plsc.subcore_barrier()
    pltpu.sync_copy(acc.at[pl.ds(s * SLAB, SLAB)],
                    out_hbm.at[pl.ds(c * NP + s * SLAB, SLAB)])



def _mm_scale_body(x_ref, w_ref, degp_ref, y_ref):
    d = degp_ref[...]
    deg = d[:, 0:1] + d[:, 1:2] + 1.0
    dis = lax.rsqrt(deg)
    xw = jnp.dot(x_ref[...], w_ref[...],
                 preferred_element_type=jnp.float32)
    y = xw * dis
    y_ref[0, :, :] = y[:, :HALF]
    y_ref[1, :, :] = y[:, HALF:]


def _epi_body(acc_ref, degp_ref, b0_ref, g_ref, be_ref, wc_ref, bc_ref, out_ref):
    d = degp_ref[...]
    deg = d[:, 0:1] + d[:, 1:2] + 1.0
    dis = lax.rsqrt(deg)
    h0 = jnp.maximum(acc_ref[0] * dis + b0_ref[:, :HALF], 0.0)
    h1 = jnp.maximum(acc_ref[1] * dis + b0_ref[:, HALF:], 0.0)
    mu = (jnp.sum(h0, axis=-1, keepdims=True)
          + jnp.sum(h1, axis=-1, keepdims=True)) * (1.0 / H)
    c0 = h0 - mu
    c1 = h1 - mu
    var = (jnp.sum(c0 * c0, axis=-1, keepdims=True)
           + jnp.sum(c1 * c1, axis=-1, keepdims=True)) * (1.0 / H)
    r = lax.rsqrt(var + 1e-5)
    n0 = c0 * r * g_ref[:, :HALF] + be_ref[:, :HALF]
    n1 = c1 * r * g_ref[:, HALF:] + be_ref[:, HALF:]
    out_ref[...] = (jnp.dot(n0, wc_ref[:HALF, :],
                            preferred_element_type=jnp.float32)
                    + jnp.dot(n1, wc_ref[HALF:, :],
                              preferred_element_type=jnp.float32)
                    + bc_ref[...])


_BN = 1000

_mm_call = pl.pallas_call(
    _mm_scale_body,
    grid=(N // _BN,),
    in_specs=[
        pl.BlockSpec((_BN, D), lambda j: (j, 0)),
        pl.BlockSpec((D, H), lambda j: (0, 0)),
        pl.BlockSpec((_BN, 2), lambda j: (j, 0)),
    ],
    out_specs=pl.BlockSpec((2, _BN, HALF), lambda j: (0, j, 0)),
    out_shape=jax.ShapeDtypeStruct((2, NP, HALF), jnp.float32),
)

_epi_call = pl.pallas_call(
    _epi_body,
    grid=(N // _BN,),
    in_specs=[
        pl.BlockSpec((2, _BN, HALF), lambda j: (0, j, 0)),
        pl.BlockSpec((_BN, 2), lambda j: (j, 0)),
        pl.BlockSpec((1, H), lambda j: (0, 0)),
        pl.BlockSpec((1, H), lambda j: (0, 0)),
        pl.BlockSpec((1, H), lambda j: (0, 0)),
        pl.BlockSpec((H, C), lambda j: (0, 0)),
        pl.BlockSpec((1, C), lambda j: (0, 0)),
    ],
    out_specs=pl.BlockSpec((_BN, C), lambda j: (j, 0)),
    out_shape=jax.ShapeDtypeStruct((N, C), jnp.float32),
)


def kernel(x, edge_index, W0, b0, gamma0, beta0, Wc, bc):
    src = edge_index[0]
    dst = edge_index[1]
    src_p = jnp.concatenate([src, jnp.zeros((PAD,), jnp.int32)])
    dst_p = jnp.concatenate([dst, jnp.full((PAD,), N, jnp.int32)])
    dst2d = dst_p.reshape(ROWS, B)
    src3 = jnp.stack([src_p, src_p + NP]).reshape(2, ROWS, B)

    degp_flat = _hist_k(dst2d)
    degp = jnp.stack([degp_flat[:NP], degp_flat[NP:]], axis=1)
    yst = _mm_call(x, W0, degp)
    y2 = yst.reshape(2 * NP, HALF)

    accf = _gs_k(y2, src3, dst2d)
    acc3 = accf.reshape(2, NP, HALF)

    return _epi_call(acc3, degp,
                     b0.reshape(1, H), gamma0.reshape(1, H),
                     beta0.reshape(1, H), Wc, bc.reshape(1, C))

# --- scband reference (transcript-rebuilt; emitter-appended) ---
"""Pipeline reference for scband-graph-neural-network-51049981280836 (READ-ONLY COPY).

The authoritative reference and input builder live on the scoring server;
editing this copy changes nothing except your own understanding.
"""

import jax, jax.numpy as jnp
import numpy as np

N = 10000
E = 160000
D = 256
H = 256
C = 40


def setup_inputs(seed: int = 0) -> dict:
    key = jax.random.key(seed)
    ks = jax.random.split(key, 8)
    x = jax.random.normal(ks[0], (N, D), dtype=jnp.float32)
    edge_index = jax.random.randint(ks[1], (2, E), 0, N, dtype=jnp.int32)
    W0 = jax.random.normal(ks[2], (D, H), dtype=jnp.float32) * (1.0 / np.sqrt(D))
    b0 = jnp.zeros((H,), dtype=jnp.float32)
    gamma0 = jnp.ones((H,), dtype=jnp.float32)
    beta0 = jnp.zeros((H,), dtype=jnp.float32)
    Wc = jax.random.normal(ks[3], (H, C), dtype=jnp.float32) * (1.0 / np.sqrt(H))
    bc = jnp.zeros((C,), dtype=jnp.float32)
    return {"x": x, "edge_index": edge_index, "W0": W0, "b0": b0,
            "gamma0": gamma0, "beta0": beta0, "Wc": Wc, "bc": bc}


def _gcn_conv(x, edge_index, W, b, num_nodes):
    # Faithful PyG GCNConv: linear transform, add self-loops, symmetric norm,
    # scatter-add aggregation at destination nodes, then bias.
    src = edge_index[0]
    dst = edge_index[1]
    loop = jnp.arange(num_nodes, dtype=src.dtype)
    src = jnp.concatenate([src, loop], axis=0)
    dst = jnp.concatenate([dst, loop], axis=0)
    deg = jnp.zeros((num_nodes,), dtype=jnp.float32).at[dst].add(1.0)
    deg_inv_sqrt = jnp.where(deg > 0, 1.0 / jnp.sqrt(deg), 0.0)
    norm = deg_inv_sqrt[src] * deg_inv_sqrt[dst]
    xw = x @ W
    msg = xw[src] * norm[:, None]
    out = jnp.zeros((num_nodes, W.shape[1]), dtype=jnp.float32).at[dst].add(msg)
    return out + b


def _layer_norm(h, gamma, beta, eps=1e-5):
    mu = jnp.mean(h, axis=-1, keepdims=True)
    var = jnp.var(h, axis=-1, keepdims=True)
    return (h - mu) / jnp.sqrt(var + eps) * gamma + beta


def reference(x, edge_index, W0, b0, gamma0, beta0, Wc, bc):
    # NOTE: the original forward zips self.layers (3 entries) with self.norms
    # (num_layers - 2 = 1 entry), so zip truncation applies only the FIRST
    # GCN layer followed by one LayerNorm, then the node classifier.
    # Dropout is identity in eval mode.
    h = _gcn_conv(x, edge_index, W0, b0, N)
    h = jax.nn.relu(h)
    h = _layer_norm(h, gamma0, beta0)
    logits = h @ Wc + bc
    return logits

if __name__ == "__main__":
    import jax
    _d = setup_inputs()
    print(jax.jit(kernel)(*tuple(_d.values())))

</pallas_src>

<mosaic_0001>
#map = affine_map<(d0, d1) -> (0, 0)>
#map1 = affine_map<(d0, d1) -> (0, 0, 0)>
module attributes {stable_mosaic.version = 14 : i64} {
  func.func @_gs_k(%arg0: i32, %arg1: i32, %arg2: memref<20480x128xf32, #tpu.memory_space<hbm>>, %arg3: memref<2x1280x128xi32, #tpu.memory_space<hbm>>, %arg4: memref<1280x128xi32, #tpu.memory_space<hbm>>, %arg5: memref<20480x128xf32, #tpu.memory_space<hbm>>, %arg6: memref<10240x128xf32, #tpu.memory_space<vmem_shared>>, %arg7: memref<40x128xi32, #tpu.memory_space<vmem>>, %arg8: memref<40x128xi32, #tpu.memory_space<vmem>>, %arg9: memref<2x128x128xf32, #tpu.memory_space<vmem>>, %arg10: memref<!tpu.dma_semaphore, #tpu.memory_space<semaphore_mem>>, %arg11: memref<!tpu.dma_semaphore, #tpu.memory_space<semaphore_mem>>, %arg12: memref<!tpu.dma_semaphore, #tpu.memory_space<semaphore_mem>>, %arg13: memref<!tpu.dma_semaphore, #tpu.memory_space<semaphore_mem>>) attributes {dimension_semantics = [#tpu.dimension_semantics<core_parallel>, #tpu.dimension_semantics<subcore_parallel>], iteration_bounds = array<i64: 2, 16>, scalar_prefetch = 0 : i64, scratch_operands = 8 : i64, tpu.core_type = #tpu.core_type<sc_vector_subcore>, window_params = [{transform_indices = #map}, {transform_indices = #map1}, {transform_indices = #map}, {transform_indices = #map}]} {
    %mul3A = arith.constant 80 : i32
    %mul3A_0 = arith.muli %arg1, %mul3A : i32
    %add3A = arith.constant 0 : i32
    %add3A_1 = arith.addi %mul3A_0, %add3A : i32
    "tpu.region"() ({
      %run_scoped3A = tpu.sem_alloc : memref<!tpu.dma_semaphore, #tpu.memory_space<semaphore_mem>>
      %dma_start3A_128 = arith.constant 0 : i32
      %dma_start3A_129 = tpu.memref_slice %arg3[%arg0, %add3A_1, %dma_start3A_128] : memref<2x1280x128xi32, #tpu.memory_space<hbm>> -> memref<1x40x128xi32, #tpu.memory_space<hbm>>
      %dma_start3A_130 = tpu.memref_squeeze %dma_start3A_129 : memref<1x40x128xi32, #tpu.memory_space<hbm>> -> memref<40x128xi32, #tpu.memory_space<hbm>>
      %dma_start3A_131 = arith.constant 0 : i32
      %dma_start3A_132 = tpu.memref_slice %arg3[%arg0, %add3A_1, %dma_start3A_131] : memref<2x1280x128xi32, #tpu.memory_space<hbm>> -> memref<1x40x128xi32, #tpu.memory_space<hbm>>
      %dma_start3A_133 = tpu.memref_squeeze %dma_start3A_132 : memref<1x40x128xi32, #tpu.memory_space<hbm>> -> memref<40x128xi32, #tpu.memory_space<hbm>>
      tpu.enqueue_dma source(%dma_start3A_133 : memref<40x128xi32, #tpu.memory_space<hbm>>) target(%arg7 : memref<40x128xi32, #tpu.memory_space<vmem>>) target_semaphore(%run_scoped3A : memref<!tpu.dma_semaphore, #tpu.memory_space<semaphore_mem>>)
      %dma_wait3A_134 = arith.constant 0 : i32
      %dma_wait3A_135 = tpu.memref_slice %arg3[%arg0, %add3A_1, %dma_wait3A_134] : memref<2x1280x128xi32, #tpu.memory_space<hbm>> -> memref<1x40x128xi32, #tpu.memory_space<hbm>>
      %dma_wait3A_136 = tpu.memref_squeeze %dma_wait3A_135 : memref<1x40x128xi32, #tpu.memory_space<hbm>> -> memref<40x128xi32, #tpu.memory_space<hbm>>
      %dma_wait3A_137 = arith.constant 0 : i32
      %dma_wait3A_138 = tpu.memref_slice %arg3[%arg0, %add3A_1, %dma_wait3A_137] : memref<2x1280x128xi32, #tpu.memory_space<hbm>> -> memref<1x40x128xi32, #tpu.memory_space<hbm>>
      %dma_wait3A_139 = tpu.memref_squeeze %dma_wait3A_138 : memref<1x40x128xi32, #tpu.memory_space<hbm>> -> memref<40x128xi32, #tpu.memory_space<hbm>>
      tpu.wait_dma2 semaphore(%run_scoped3A : memref<!tpu.dma_semaphore, #tpu.memory_space<semaphore_mem>>) src(%dma_wait3A_139 : memref<40x128xi32, #tpu.memory_space<hbm>>) dst(%arg7 : memref<40x128xi32, #tpu.memory_space<vmem>>)
      tpu.yield
    }) : () -> ()
    %add3A_2 = arith.constant 0 : i32
    %add3A_3 = arith.addi %mul3A_0, %add3A_2 : i32
    "tpu.region"() ({
      %run_scoped3A = tpu.sem_alloc : memref<!tpu.dma_semaphore, #tpu.memory_space<semaphore_mem>>
      %dma_start3A_128 = arith.constant 0 : i32
      %dma_start3A_129 = tpu.memref_slice %arg4[%add3A_3, %dma_start3A_128] : memref<1280x128xi32, #tpu.memory_space<hbm>> -> memref<40x128xi32, #tpu.memory_space<hbm>>
      %dma_start3A_130 = arith.constant 0 : i32
      %dma_start3A_131 = tpu.memref_slice %arg4[%add3A_3, %dma_start3A_130] : memref<1280x128xi32, #tpu.memory_space<hbm>> -> memref<40x128xi32, #tpu.memory_space<hbm>>
      tpu.enqueue_dma source(%dma_start3A_131 : memref<40x128xi32, #tpu.memory_space<hbm>>) target(%arg8 : memref<40x128xi32, #tpu.memory_space<vmem>>) target_semaphore(%run_scoped3A : memref<!tpu.dma_semaphore, #tpu.memory_space<semaphore_mem>>)
      %dma_wait3A_132 = arith.constant 0 : i32
      %dma_wait3A_133 = tpu.memref_slice %arg4[%add3A_3, %dma_wait3A_132] : memref<1280x128xi32, #tpu.memory_space<hbm>> -> memref<40x128xi32, #tpu.memory_space<hbm>>
      %dma_wait3A_134 = arith.constant 0 : i32
      %dma_wait3A_135 = tpu.memref_slice %arg4[%add3A_3, %dma_wait3A_134] : memref<1280x128xi32, #tpu.memory_space<hbm>> -> memref<40x128xi32, #tpu.memory_space<hbm>>
      tpu.wait_dma2 semaphore(%run_scoped3A : memref<!tpu.dma_semaphore, #tpu.memory_space<semaphore_mem>>) src(%dma_wait3A_135 : memref<40x128xi32, #tpu.memory_space<hbm>>) dst(%arg8 : memref<40x128xi32, #tpu.memory_space<vmem>>)
      tpu.yield
    }) : () -> ()
    %mul3A_4 = arith.constant 10240 : i32
    %mul3A_5 = arith.muli %arg0, %mul3A_4 : i32
    %mul3A_6 = arith.constant 640 : i32
    %mul3A_7 = arith.muli %arg1, %mul3A_6 : i32
    %add3A_8 = arith.addi %mul3A_5, %mul3A_7 : i32
    %mul3A_9 = arith.constant 640 : i32
    %mul3A_10 = arith.muli %arg1, %mul3A_9 : i32
    "tpu.region"() ({
      %run_scoped3A = tpu.sem_alloc : memref<!tpu.dma_semaphore, #tpu.memory_space<semaphore_mem>>
      %dma_start3A_128 = arith.constant 0 : i32
      %dma_start3A_129 = tpu.memref_slice %arg6[%mul3A_10, %dma_start3A_128] : memref<10240x128xf32, #tpu.memory_space<vmem_shared>> -> memref<640x128xf32, #tpu.memory_space<vmem_shared>>
      %dma_start3A_130 = arith.constant 0 : i32
      %dma_start3A_131 = tpu.memref_slice %arg2[%add3A_8, %dma_start3A_130] : memref<20480x128xf32, #tpu.memory_space<hbm>> -> memref<640x128xf32, #tpu.memory_space<hbm>>
      tpu.enqueue_dma source(%dma_start3A_131 : memref<640x128xf32, #tpu.memory_space<hbm>>) target(%dma_start3A_129 : memref<640x128xf32, #tpu.memory_space<vmem_shared>>) target_semaphore(%run_scoped3A : memref<!tpu.dma_semaphore, #tpu.memory_space<semaphore_mem>>)
      %dma_wait3A_132 = arith.constant 0 : i32
      %dma_wait3A_133 = tpu.memref_slice %arg6[%mul3A_10, %dma_wait3A_132] : memref<10240x128xf32, #tpu.memory_space<vmem_shared>> -> memref<640x128xf32, #tpu.memory_space<vmem_shared>>
      %dma_wait3A_134 = arith.constant 0 : i32
      %dma_wait3A_135 = tpu.memref_slice %arg2[%add3A_8, %dma_wait3A_134] : memref<20480x128xf32, #tpu.memory_space<hbm>> -> memref<640x128xf32, #tpu.memory_space<hbm>>
      tpu.wait_dma2 semaphore(%run_scoped3A : memref<!tpu.dma_semaphore, #tpu.memory_space<semaphore_mem>>) src(%dma_wait3A_135 : memref<640x128xf32, #tpu.memory_space<hbm>>) dst(%dma_wait3A_133 : memref<640x128xf32, #tpu.memory_space<vmem_shared>>)
      tpu.yield
    }) : () -> ()
    %barrier3A = arith.constant 0 : index
    tpu.barrier barrier_id(%barrier3A)
    %dma_start3A = arith.constant 0 : i32
    %dma_start3A_11 = arith.constant 0 : i32
    %dma_start3A_12 = arith.constant 0 : i32
    %dma_start3A_13 = arith.constant 0 : i32
    %dma_start3A_14 = tpu.memref_slice %arg9[%dma_start3A_11, %dma_start3A_12, %dma_start3A_13] : memref<2x128x128xf32, #tpu.memory_space<vmem>> -> memref<1x128x128xf32, #tpu.memory_space<vmem>>
    %dma_start3A_15 = tpu.memref_squeeze %dma_start3A_14 : memref<1x128x128xf32, #tpu.memory_space<vmem>> -> memref<128x128xf32, #tpu.memory_space<vmem>>
    %dma_start3A_16 = arith.constant 0 : i32
    %dma_start3A_17 = tpu.memref_slice %arg7[%dma_start3A, %dma_start3A_16] : memref<40x128xi32, #tpu.memory_space<vmem>> -> memref<1x128xi32, #tpu.memory_space<vmem>>
    %dma_start3A_18 = tpu.memref_squeeze %dma_start3A_17 : memref<1x128xi32, #tpu.memory_space<vmem>> -> memref<128xi32, #tpu.memory_space<vmem>>
    %dma_start3A_19 = arith.constant 0 : i32
    %dma_start3A_20 = arith.constant 0 : i32
    %dma_start3A_21 = tpu.memref_slice %arg2[%dma_start3A_19, %dma_start3A_20] : memref<20480x128xf32, #tpu.memory_space<hbm>> -> memref<20480x128xf32, #tpu.memory_space<hbm>>
    tpu.enqueue_indirect_dma source(%dma_start3A_21 : memref<20480x128xf32, #tpu.memory_space<hbm>>) target(%dma_start3A_15 : memref<128x128xf32, #tpu.memory_space<vmem>>) offsets(%dma_start3A_18 : memref<128xi32, #tpu.memory_space<vmem>>) semaphore(%arg10 : memref<!tpu.dma_semaphore, #tpu.memory_space<semaphore_mem>>)
    %dma_start3A_22 = arith.constant 1 : i32
    %dma_start3A_23 = arith.constant 1 : i32
    %dma_start3A_24 = arith.constant 0 : i32
    %dma_start3A_25 = arith.constant 0 : i32
    %dma_start3A_26 = tpu.memref_slice %arg9[%dma_start3A_23, %dma_start3A_24, %dma_start3A_25] : memref<2x128x128xf32, #tpu.memory_space<vmem>> -> memref<1x128x128xf32, #tpu.memory_space<vmem>>
    %dma_start3A_27 = tpu.memref_squeeze %dma_start3A_26 : memref<1x128x128xf32, #tpu.memory_space<vmem>> -> memref<128x128xf32, #tpu.memory_space<vmem>>
    %dma_start3A_28 = arith.constant 0 : i32
    %dma_start3A_29 = tpu.memref_slice %arg7[%dma_start3A_22, %dma_start3A_28] : memref<40x128xi32, #tpu.memory_space<vmem>> -> memref<1x128xi32, #tpu.memory_space<vmem>>
    %dma_start3A_30 = tpu.memref_squeeze %dma_start3A_29 : memref<1x128xi32, #tpu.memory_space<vmem>> -> memref<128xi32, #tpu.memory_space<vmem>>
    %dma_start3A_31 = arith.constant 0 : i32
    %dma_start3A_32 = arith.constant 0 : i32
    %dma_start3A_33 = tpu.memref_slice %arg2[%dma_start3A_31, %dma_start3A_32] : memref<20480x128xf32, #tpu.memory_space<hbm>> -> memref<20480x128xf32, #tpu.memory_space<hbm>>
    tpu.enqueue_indirect_dma source(%dma_start3A_33 : memref<20480x128xf32, #tpu.memory_space<hbm>>) target(%dma_start3A_27 : memref<128x128xf32, #tpu.memory_space<vmem>>) offsets(%dma_start3A_30 : memref<128xi32, #tpu.memory_space<vmem>>) semaphore(%arg11 : memref<!tpu.dma_semaphore, #tpu.memory_space<semaphore_mem>>)
    %scan3A = arith.constant 0 : i32
    %scan3A_34 = arith.constant 0 : i32
    %scan3A_35 = arith.constant 20 : i32
    %scan3A_36 = arith.addi %scan3A_34, %scan3A_35 : i32
    %scan3A_37 = arith.constant 1 : i32
    scf.for %scan3A_128 = %scan3A_34 to %scan3A_36 step %scan3A_37  : i32 {
      %mul3A_129 = arith.constant 2 : i32
      %mul3A_130 = arith.muli %mul3A_129, %scan3A_128 : i32
      %add3A_131 = arith.constant 0 : i32
      %add3A_132 = arith.addi %mul3A_130, %add3A_131 : i32
      %dma_wait3A_133 = arith.constant 0 : i32
      %dma_wait3A_134 = arith.constant 0 : i32
      %dma_wait3A_135 = arith.constant 0 : i32
      %dma_wait3A_136 = arith.constant 0 : i32
      %dma_wait3A_137 = tpu.memref_slice %arg9[%dma_wait3A_134, %dma_wait3A_135, %dma_wait3A_136] : memref<2x128x128xf32, #tpu.memory_space<vmem>> -> memref<1x128x128xf32, #tpu.memory_space<vmem>>
      %dma_wait3A_138 = tpu.memref_squeeze %dma_wait3A_137 : memref<1x128x128xf32, #tpu.memory_space<vmem>> -> memref<128x128xf32, #tpu.memory_space<vmem>>
      %dma_wait3A_139 = arith.constant 0 : i32
      %dma_wait3A_140 = tpu.memref_slice %arg7[%dma_wait3A_133, %dma_wait3A_139] : memref<40x128xi32, #tpu.memory_space<vmem>> -> memref<1x128xi32, #tpu.memory_space<vmem>>
      %dma_wait3A_141 = tpu.memref_squeeze %dma_wait3A_140 : memref<1x128xi32, #tpu.memory_space<vmem>> -> memref<128xi32, #tpu.memory_space<vmem>>
      %dma_wait3A_142 = arith.constant 0 : i32
      %dma_wait3A_143 = arith.constant 0 : i32
      %dma_wait3A_144 = tpu.memref_slice %arg2[%dma_wait3A_142, %dma_wait3A_143] : memref<20480x128xf32, #tpu.memory_space<hbm>> -> memref<20480x128xf32, #tpu.memory_space<hbm>>
      tpu.wait_indirect_dma semaphore(%arg10 : memref<!tpu.dma_semaphore, #tpu.memory_space<semaphore_mem>>) src(%dma_wait3A_144 : memref<20480x128xf32, #tpu.memory_space<hbm>>) dst(%dma_wait3A_138 : memref<128x128xf32, #tpu.memory_space<vmem>>)
      %dma_start3A_145 = arith.constant 0 : i32
      %dma_start3A_146 = arith.constant 0 : i32
      %dma_start3A_147 = arith.constant 0 : i32
      %dma_start3A_148 = tpu.memref_slice %arg9[%dma_start3A_145, %dma_start3A_146, %dma_start3A_147] : memref<2x128x128xf32, #tpu.memory_space<vmem>> -> memref<1x128x128xf32, #tpu.memory_space<vmem>>
      %dma_start3A_149 = tpu.memref_squeeze %dma_start3A_148 : memref<1x128x128xf32, #tpu.memory_space<vmem>> -> memref<128x128xf32, #tpu.memory_space<vmem>>
      %dma_start3A_150 = arith.constant 0 : i32
      %dma_start3A_151 = tpu.memref_slice %arg8[%add3A_132, %dma_start3A_150] : memref<40x128xi32, #tpu.memory_space<vmem>> -> memref<1x128xi32, #tpu.memory_space<vmem>>
      %dma_start3A_152 = tpu.memref_squeeze %dma_start3A_151 : memref<1x128xi32, #tpu.memory_space<vmem>> -> memref<128xi32, #tpu.memory_space<vmem>>
      %dma_start3A_153 = arith.constant 0 : i32
      %dma_start3A_154 = arith.constant 0 : i32
      %dma_start3A_155 = tpu.memref_slice %arg6[%dma_start3A_153, %dma_start3A_154] : memref<10240x128xf32, #tpu.memory_space<vmem_shared>> -> memref<10240x128xf32, #tpu.memory_space<vmem_shared>>
      tpu.enqueue_indirect_dma source(%dma_start3A_149 : memref<128x128xf32, #tpu.memory_space<vmem>>) target(%dma_start3A_155 : memref<10240x128xf32, #tpu.memory_space<vmem_shared>>) offsets(%dma_start3A_152 : memref<128xi32, #tpu.memory_space<vmem>>) semaphore(%arg12 : memref<!tpu.dma_semaphore, #tpu.memory_space<semaphore_mem>>) {add = true}
      %lt3A = arith.constant 38 : i32
      %lt3A_156 = arith.cmpi slt, %add3A_132, %lt3A : i32
      %convert_element_type3A = arith.extui %lt3A_156 : i1 to i32
      %cond3A = arith.constant 0 : i32
      %cond3A_157 = arith.cmpi ne, %convert_element_type3A, %cond3A : i32
      scf.if %cond3A_157 {
        %dma_wait3A_190 = arith.constant 0 : i32
        %dma_wait3A_191 = arith.constant 0 : i32
        %dma_wait3A_192 = arith.constant 0 : i32
        %dma_wait3A_193 = arith.constant 0 : i32
        %dma_wait3A_194 = tpu.memref_slice %arg9[%dma_wait3A_190, %dma_wait3A_192, %dma_wait3A_193] : memref<2x128x128xf32, #tpu.memory_space<vmem>> -> memref<1x128x128xf32, #tpu.memory_space<vmem>>
        %dma_wait3A_195 = tpu.memref_squeeze %dma_wait3A_194 : memref<1x128x128xf32, #tpu.memory_space<vmem>> -> memref<128x128xf32, #tpu.memory_space<vmem>>
        %dma_wait3A_196 = arith.constant 0 : i32
        %dma_wait3A_197 = tpu.memref_slice %arg8[%dma_wait3A_191, %dma_wait3A_196] : memref<40x128xi32, #tpu.memory_space<vmem>> -> memref<1x128xi32, #tpu.memory_space<vmem>>
        %dma_wait3A_198 = tpu.memref_squeeze %dma_wait3A_197 : memref<1x128xi32, #tpu.memory_space<vmem>> -> memref<128xi32, #tpu.memory_space<vmem>>
        %dma_wait3A_199 = arith.constant 0 : i32
        %dma_wait3A_200 = arith.constant 0 : i32
        %dma_wait3A_201 = tpu.memref_slice %arg6[%dma_wait3A_199, %dma_wait3A_200] : memref<10240x128xf32, #tpu.memory_space<vmem_shared>> -> memref<10240x128xf32, #tpu.memory_space<vmem_shared>>
        tpu.wait_indirect_dma semaphore(%arg12 : memref<!tpu.dma_semaphore, #tpu.memory_space<semaphore_mem>>) src(%dma_wait3A_195 : memref<128x128xf32, #tpu.memory_space<vmem>>) dst(%dma_wait3A_201 : memref<10240x128xf32, #tpu.memory_space<vmem_shared>>)
        %add3A_202 = arith.constant 2 : i32
        %add3A_203 = arith.addi %add3A_132, %add3A_202 : i32
        %dma_start3A_204 = arith.constant 0 : i32
        %dma_start3A_205 = arith.constant 0 : i32
        %dma_start3A_206 = arith.constant 0 : i32
        %dma_start3A_207 = tpu.memref_slice %arg9[%dma_start3A_204, %dma_start3A_205, %dma_start3A_206] : memref<2x128x128xf32, #tpu.memory_space<vmem>> -> memref<1x128x128xf32, #tpu.memory_space<vmem>>
        %dma_start3A_208 = tpu.memref_squeeze %dma_start3A_207 : memref<1x128x128xf32, #tpu.memory_space<vmem>> -> memref<128x128xf32, #tpu.memory_space<vmem>>
        %dma_start3A_209 = arith.constant 0 : i32
        %dma_start3A_210 = tpu.memref_slice %arg7[%add3A_203, %dma_start3A_209] : memref<40x128xi32, #tpu.memory_space<vmem>> -> memref<1x128xi32, #tpu.memory_space<vmem>>
        %dma_start3A_211 = tpu.memref_squeeze %dma_start3A_210 : memref<1x128xi32, #tpu.memory_space<vmem>> -> memref<128xi32, #tpu.memory_space<vmem>>
        %dma_start3A_212 = arith.constant 0 : i32
        %dma_start3A_213 = arith.constant 0 : i32
        %dma_start3A_214 = tpu.memref_slice %arg2[%dma_start3A_212, %dma_start3A_213] : memref<20480x128xf32, #tpu.memory_space<hbm>> -> memref<20480x128xf32, #tpu.memory_space<hbm>>
        tpu.enqueue_indirect_dma source(%dma_start3A_214 : memref<20480x128xf32, #tpu.memory_space<hbm>>) target(%dma_start3A_208 : memref<128x128xf32, #tpu.memory_space<vmem>>) offsets(%dma_start3A_211 : memref<128xi32, #tpu.memory_space<vmem>>) semaphore(%arg10 : memref<!tpu.dma_semaphore, #tpu.memory_space<semaphore_mem>>)
      } else {
      }
      %mul3A_158 = arith.constant 2 : i32
      %mul3A_159 = arith.muli %mul3A_158, %scan3A_128 : i32
      %add3A_160 = arith.constant 1 : i32
      %add3A_161 = arith.addi %mul3A_159, %add3A_160 : i32
      %dma_wait3A_162 = arith.constant 0 : i32
      %dma_wait3A_163 = arith.constant 1 : i32
      %dma_wait3A_164 = arith.constant 0 : i32
      %dma_wait3A_165 = arith.constant 0 : i32
      %dma_wait3A_166 = tpu.memref_slice %arg9[%dma_wait3A_163, %dma_wait3A_164, %dma_wait3A_165] : memref<2x128x128xf32, #tpu.memory_space<vmem>> -> memref<1x128x128xf32, #tpu.memory_space<vmem>>
      %dma_wait3A_167 = tpu.memref_squeeze %dma_wait3A_166 : memref<1x128x128xf32, #tpu.memory_space<vmem>> -> memref<128x128xf32, #tpu.memory_space<vmem>>
      %dma_wait3A_168 = arith.constant 0 : i32
      %dma_wait3A_169 = tpu.memref_slice %arg7[%dma_wait3A_162, %dma_wait3A_168] : memref<40x128xi32, #tpu.memory_space<vmem>> -> memref<1x128xi32, #tpu.memory_space<vmem>>
      %dma_wait3A_170 = tpu.memref_squeeze %dma_wait3A_169 : memref<1x128xi32, #tpu.memory_space<vmem>> -> memref<128xi32, #tpu.memory_space<vmem>>
      %dma_wait3A_171 = arith.constant 0 : i32
      %dma_wait3A_172 = arith.constant 0 : i32
      %dma_wait3A_173 = tpu.memref_slice %arg2[%dma_wait3A_171, %dma_wait3A_172] : memref<20480x128xf32, #tpu.memory_space<hbm>> -> memref<20480x128xf32, #tpu.memory_space<hbm>>
      tpu.wait_indirect_dma semaphore(%arg11 : memref<!tpu.dma_semaphore, #tpu.memory_space<semaphore_mem>>) src(%dma_wait3A_173 : memref<20480x128xf32, #tpu.memory_space<hbm>>) dst(%dma_wait3A_167 : memref<128x128xf32, #tpu.memory_space<vmem>>)
      %dma_start3A_174 = arith.constant 1 : i32
      %dma_start3A_175 = arith.constant 0 : i32
      %dma_start3A_176 = arith.constant 0 : i32
      %dma_start3A_177 = tpu.memref_slice %arg9[%dma_start3A_174, %dma_start3A_175, %dma_start3A_176] : memref<2x128x128xf32, #tpu.memory_space<vmem>> -> memref<1x128x128xf32, #tpu.memory_space<vmem>>
      %dma_start3A_178 = tpu.memref_squeeze %dma_start3A_177 : memref<1x128x128xf32, #tpu.memory_space<vmem>> -> memref<128x128xf32, #tpu.memory_space<vmem>>
      %dma_start3A_179 = arith.constant 0 : i32
      %dma_start3A_180 = tpu.memref_slice %arg8[%add3A_161, %dma_start3A_179] : memref<40x128xi32, #tpu.memory_space<vmem>> -> memref<1x128xi32, #tpu.memory_space<vmem>>
      %dma_start3A_181 = tpu.memref_squeeze %dma_start3A_180 : memref<1x128xi32, #tpu.memory_space<vmem>> -> memref<128xi32, #tpu.memory_space<vmem>>
      %dma_start3A_182 = arith.constant 0 : i32
      %dma_start3A_183 = arith.constant 0 : i32
      %dma_start3A_184 = tpu.memref_slice %arg6[%dma_start3A_182, %dma_start3A_183] : memref<10240x128xf32, #tpu.memory_space<vmem_shared>> -> memref<10240x128xf32, #tpu.memory_space<vmem_shared>>
      tpu.enqueue_indirect_dma source(%dma_start3A_178 : memref<128x128xf32, #tpu.memory_space<vmem>>) target(%dma_start3A_184 : memref<10240x128xf32, #tpu.memory_space<vmem_shared>>) offsets(%dma_start3A_181 : memref<128xi32, #tpu.memory_space<vmem>>) semaphore(%arg13 : memref<!tpu.dma_semaphore, #tpu.memory_space<semaphore_mem>>) {add = true}
      %lt3A_185 = arith.constant 38 : i32
      %lt3A_186 = arith.cmpi slt, %add3A_161, %lt3A_185 : i32
      %convert_element_type3A_187 = arith.extui %lt3A_186 : i1 to i32
      %cond3A_188 = arith.constant 0 : i32
      %cond3A_189 = arith.cmpi ne, %convert_element_type3A_187, %cond3A_188 : i32
      scf.if %cond3A_189 {
        %dma_wait3A_190 = arith.constant 1 : i32
        %dma_wait3A_191 = arith.constant 0 : i32
        %dma_wait3A_192 = arith.constant 0 : i32
        %dma_wait3A_193 = arith.constant 0 : i32
        %dma_wait3A_194 = tpu.memref_slice %arg9[%dma_wait3A_190, %dma_wait3A_192, %dma_wait3A_193] : memref<2x128x128xf32, #tpu.memory_space<vmem>> -> memref<1x128x128xf32, #tpu.memory_space<vmem>>
        %dma_wait3A_195 = tpu.memref_squeeze %dma_wait3A_194 : memref<1x128x128xf32, #tpu.memory_space<vmem>> -> memref<128x128xf32, #tpu.memory_space<vmem>>
        %dma_wait3A_196 = arith.constant 0 : i32
        %dma_wait3A_197 = tpu.memref_slice %arg8[%dma_wait3A_191, %dma_wait3A_196] : memref<40x128xi32, #tpu.memory_space<vmem>> -> memref<1x128xi32, #tpu.memory_space<vmem>>
        %dma_wait3A_198 = tpu.memref_squeeze %dma_wait3A_197 : memref<1x128xi32, #tpu.memory_space<vmem>> -> memref<128xi32, #tpu.memory_space<vmem>>
        %dma_wait3A_199 = arith.constant 0 : i32
        %dma_wait3A_200 = arith.constant 0 : i32
        %dma_wait3A_201 = tpu.memref_slice %arg6[%dma_wait3A_199, %dma_wait3A_200] : memref<10240x128xf32, #tpu.memory_space<vmem_shared>> -> memref<10240x128xf32, #tpu.memory_space<vmem_shared>>
        tpu.wait_indirect_dma semaphore(%arg13 : memref<!tpu.dma_semaphore, #tpu.memory_space<semaphore_mem>>) src(%dma_wait3A_195 : memref<128x128xf32, #tpu.memory_space<vmem>>) dst(%dma_wait3A_201 : memref<10240x128xf32, #tpu.memory_space<vmem_shared>>)
        %add3A_202 = arith.constant 2 : i32
        %add3A_203 = arith.addi %add3A_161, %add3A_202 : i32
        %dma_start3A_204 = arith.constant 1 : i32
        %dma_start3A_205 = arith.constant 0 : i32
        %dma_start3A_206 = arith.constant 0 : i32
        %dma_start3A_207 = tpu.memref_slice %arg9[%dma_start3A_204, %dma_start3A_205, %dma_start3A_206] : memref<2x128x128xf32, #tpu.memory_space<vmem>> -> memref<1x128x128xf32, #tpu.memory_space<vmem>>
        %dma_start3A_208 = tpu.memref_squeeze %dma_start3A_207 : memref<1x128x128xf32, #tpu.memory_space<vmem>> -> memref<128x128xf32, #tpu.memory_space<vmem>>
        %dma_start3A_209 = arith.constant 0 : i32
        %dma_start3A_210 = tpu.memref_slice %arg7[%add3A_203, %dma_start3A_209] : memref<40x128xi32, #tpu.memory_space<vmem>> -> memref<1x128xi32, #tpu.memory_space<vmem>>
        %dma_start3A_211 = tpu.memref_squeeze %dma_start3A_210 : memref<1x128xi32, #tpu.memory_space<vmem>> -> memref<128xi32, #tpu.memory_space<vmem>>
        %dma_start3A_212 = arith.constant 0 : i32
        %dma_start3A_213 = arith.constant 0 : i32
        %dma_start3A_214 = tpu.memref_slice %arg2[%dma_start3A_212, %dma_start3A_213] : memref<20480x128xf32, #tpu.memory_space<hbm>> -> memref<20480x128xf32, #tpu.memory_space<hbm>>
        tpu.enqueue_indirect_dma source(%dma_start3A_214 : memref<20480x128xf32, #tpu.memory_space<hbm>>) target(%dma_start3A_208 : memref<128x128xf32, #tpu.memory_space<vmem>>) offsets(%dma_start3A_211 : memref<128xi32, #tpu.memory_space<vmem>>) semaphore(%arg11 : memref<!tpu.dma_semaphore, #tpu.memory_space<semaphore_mem>>)
      } else {
      }
    }
    %scan3A_38 = arith.constant 20 : i32
    %dma_wait3A = arith.constant 0 : i32
    %dma_wait3A_39 = arith.constant 0 : i32
    %dma_wait3A_40 = arith.constant 0 : i32
    %dma_wait3A_41 = arith.constant 0 : i32
    %dma_wait3A_42 = tpu.memref_slice %arg9[%dma_wait3A, %dma_wait3A_40, %dma_wait3A_41] : memref<2x128x128xf32, #tpu.memory_space<vmem>> -> memref<1x128x128xf32, #tpu.memory_space<vmem>>
    %dma_wait3A_43 = tpu.memref_squeeze %dma_wait3A_42 : memref<1x128x128xf32, #tpu.memory_space<vmem>> -> memref<128x128xf32, #tpu.memory_space<vmem>>
    %dma_wait3A_44 = arith.constant 0 : i32
    %dma_wait3A_45 = tpu.memref_slice %arg8[%dma_wait3A_39, %dma_wait3A_44] : memref<40x128xi32, #tpu.memory_space<vmem>> -> memref<1x128xi32, #tpu.memory_space<vmem>>
    %dma_wait3A_46 = tpu.memref_squeeze %dma_wait3A_45 : memref<1x128xi32, #tpu.memory_space<vmem>> -> memref<128xi32, #tpu.memory_space<vmem>>
    %dma_wait3A_47 = arith.constant 0 : i32
    %dma_wait3A_48 = arith.constant 0 : i32
    %dma_wait3A_49 = tpu.memref_slice %arg6[%dma_wait3A_47, %dma_wait3A_48] : memref<10240x128xf32, #tpu.memory_space<vmem_shared>> -> memref<10240x128xf32, #tpu.memory_space<vmem_shared>>
    tpu.wait_indirect_dma semaphore(%arg12 : memref<!tpu.dma_semaphore, #tpu.memory_space<semaphore_mem>>) src(%dma_wait3A_43 : memref<128x128xf32, #tpu.memory_space<vmem>>) dst(%dma_wait3A_49 : memref<10240x128xf32, #tpu.memory_space<vmem_shared>>)
    %dma_wait3A_50 = arith.constant 1 : i32
    %dma_wait3A_51 = arith.constant 0 : i32
    %dma_wait3A_52 = arith.constant 0 : i32
    %dma_wait3A_53 = arith.constant 0 : i32
    %dma_wait3A_54 = tpu.memref_slice %arg9[%dma_wait3A_50, %dma_wait3A_52, %dma_wait3A_53] : memref<2x128x128xf32, #tpu.memory_space<vmem>> -> memref<1x128x128xf32, #tpu.memory_space<vmem>>
    %dma_wait3A_55 = tpu.memref_squeeze %dma_wait3A_54 : memref<1x128x128xf32, #tpu.memory_space<vmem>> -> memref<128x128xf32, #tpu.memory_space<vmem>>
    %dma_wait3A_56 = arith.constant 0 : i32
    %dma_wait3A_57 = tpu.memref_slice %arg8[%dma_wait3A_51, %dma_wait3A_56] : memref<40x128xi32, #tpu.memory_space<vmem>> -> memref<1x128xi32, #tpu.memory_space<vmem>>
    %dma_wait3A_58 = tpu.memref_squeeze %dma_wait3A_57 : memref<1x128xi32, #tpu.memory_space<vmem>> -> memref<128xi32, #tpu.memory_space<vmem>>
    %dma_wait3A_59 = arith.constant 0 : i32
    %dma_wait3A_60 = arith.constant 0 : i32
    %dma_wait3A_61 = tpu.memref_slice %arg6[%dma_wait3A_59, %dma_wait3A_60] : memref<10240x128xf32, #tpu.memory_space<vmem_shared>> -> memref<10240x128xf32, #tpu.memory_space<vmem_shared>>
    tpu.wait_indirect_dma semaphore(%arg13 : memref<!tpu.dma_semaphore, #tpu.memory_space<semaphore_mem>>) src(%dma_wait3A_55 : memref<128x128xf32, #tpu.memory_space<vmem>>) dst(%dma_wait3A_61 : memref<10240x128xf32, #tpu.memory_space<vmem_shared>>)
    %add3A_62 = arith.constant 40 : i32
    %add3A_63 = arith.addi %mul3A_0, %add3A_62 : i32
    "tpu.region"() ({
      %run_scoped3A = tpu.sem_alloc : memref<!tpu.dma_semaphore, #tpu.memory_space<semaphore_mem>>
      %dma_start3A_128 = arith.constant 0 : i32
      %dma_start3A_129 = tpu.memref_slice %arg3[%arg0, %add3A_63, %dma_start3A_128] : memref<2x1280x128xi32, #tpu.memory_space<hbm>> -> memref<1x40x128xi32, #tpu.memory_space<hbm>>
      %dma_start3A_130 = tpu.memref_squeeze %dma_start3A_129 : memref<1x40x128xi32, #tpu.memory_space<hbm>> -> memref<40x128xi32, #tpu.memory_space<hbm>>
      %dma_start3A_131 = arith.constant 0 : i32
      %dma_start3A_132 = tpu.memref_slice %arg3[%arg0, %add3A_63, %dma_start3A_131] : memref<2x1280x128xi32, #tpu.memory_space<hbm>> -> memref<1x40x128xi32, #tpu.memory_space<hbm>>
      %dma_start3A_133 = tpu.memref_squeeze %dma_start3A_132 : memref<1x40x128xi32, #tpu.memory_space<hbm>> -> memref<40x128xi32, #tpu.memory_space<hbm>>
      tpu.enqueue_dma source(%dma_start3A_133 : memref<40x128xi32, #tpu.memory_space<hbm>>) target(%arg7 : memref<40x128xi32, #tpu.memory_space<vmem>>) target_semaphore(%run_scoped3A : memref<!tpu.dma_semaphore, #tpu.memory_space<semaphore_mem>>)
      %dma_wait3A_134 = arith.constant 0 : i32
      %dma_wait3A_135 = tpu.memref_slice %arg3[%arg0, %add3A_63, %dma_wait3A_134] : memref<2x1280x128xi32, #tpu.memory_space<hbm>> -> memref<1x40x128xi32, #tpu.memory_space<hbm>>
      %dma_wait3A_136 = tpu.memref_squeeze %dma_wait3A_135 : memref<1x40x128xi32, #tpu.memory_space<hbm>> -> memref<40x128xi32, #tpu.memory_space<hbm>>
      %dma_wait3A_137 = arith.constant 0 : i32
      %dma_wait3A_138 = tpu.memref_slice %arg3[%arg0, %add3A_63, %dma_wait3A_137] : memref<2x1280x128xi32, #tpu.memory_space<hbm>> -> memref<1x40x128xi32, #tpu.memory_space<hbm>>
      %dma_wait3A_139 = tpu.memref_squeeze %dma_wait3A_138 : memref<1x40x128xi32, #tpu.memory_space<hbm>> -> memref<40x128xi32, #tpu.memory_space<hbm>>
      tpu.wait_dma2 semaphore(%run_scoped3A : memref<!tpu.dma_semaphore, #tpu.memory_space<semaphore_mem>>) src(%dma_wait3A_139 : memref<40x128xi32, #tpu.memory_space<hbm>>) dst(%arg7 : memref<40x128xi32, #tpu.memory_space<vmem>>)
      tpu.yield
    }) : () -> ()
    %add3A_64 = arith.constant 40 : i32
    %add3A_65 = arith.addi %mul3A_0, %add3A_64 : i32
    "tpu.region"() ({
      %run_scoped3A = tpu.sem_alloc : memref<!tpu.dma_semaphore, #tpu.memory_space<semaphore_mem>>
      %dma_start3A_128 = arith.constant 0 : i32
      %dma_start3A_129 = tpu.memref_slice %arg4[%add3A_65, %dma_start3A_128] : memref<1280x128xi32, #tpu.memory_space<hbm>> -> memref<40x128xi32, #tpu.memory_space<hbm>>
      %dma_start3A_130 = arith.constant 0 : i32
      %dma_start3A_131 = tpu.memref_slice %arg4[%add3A_65, %dma_start3A_130] : memref<1280x128xi32, #tpu.memory_space<hbm>> -> memref<40x128xi32, #tpu.memory_space<hbm>>
      tpu.enqueue_dma source(%dma_start3A_131 : memref<40x128xi32, #tpu.memory_space<hbm>>) target(%arg8 : memref<40x128xi32, #tpu.memory_space<vmem>>) target_semaphore(%run_scoped3A : memref<!tpu.dma_semaphore, #tpu.memory_space<semaphore_mem>>)
      %dma_wait3A_132 = arith.constant 0 : i32
      %dma_wait3A_133 = tpu.memref_slice %arg4[%add3A_65, %dma_wait3A_132] : memref<1280x128xi32, #tpu.memory_space<hbm>> -> memref<40x128xi32, #tpu.memory_space<hbm>>
      %dma_wait3A_134 = arith.constant 0 : i32
      %dma_wait3A_135 = tpu.memref_slice %arg4[%add3A_65, %dma_wait3A_134] : memref<1280x128xi32, #tpu.memory_space<hbm>> -> memref<40x128xi32, #tpu.memory_space<hbm>>
      tpu.wait_dma2 semaphore(%run_scoped3A : memref<!tpu.dma_semaphore, #tpu.memory_space<semaphore_mem>>) src(%dma_wait3A_135 : memref<40x128xi32, #tpu.memory_space<hbm>>) dst(%arg8 : memref<40x128xi32, #tpu.memory_space<vmem>>)
      tpu.yield
    }) : () -> ()
    %dma_start3A_66 = arith.constant 0 : i32
    %dma_start3A_67 = arith.constant 0 : i32
    %dma_start3A_68 = arith.constant 0 : i32
    %dma_start3A_69 = arith.constant 0 : i32
    %dma_start3A_70 = tpu.memref_slice %arg9[%dma_start3A_67, %dma_start3A_68, %dma_start3A_69] : memref<2x128x128xf32, #tpu.memory_space<vmem>> -> memref<1x128x128xf32, #tpu.memory_space<vmem>>
    %dma_start3A_71 = tpu.memref_squeeze %dma_start3A_70 : memref<1x128x128xf32, #tpu.memory_space<vmem>> -> memref<128x128xf32, #tpu.memory_space<vmem>>
    %dma_start3A_72 = arith.constant 0 : i32
    %dma_start3A_73 = tpu.memref_slice %arg7[%dma_start3A_66, %dma_start3A_72] : memref<40x128xi32, #tpu.memory_space<vmem>> -> memref<1x128xi32, #tpu.memory_space<vmem>>
    %dma_start3A_74 = tpu.memref_squeeze %dma_start3A_73 : memref<1x128xi32, #tpu.memory_space<vmem>> -> memref<128xi32, #tpu.memory_space<vmem>>
    %dma_start3A_75 = arith.constant 0 : i32
    %dma_start3A_76 = arith.constant 0 : i32
    %dma_start3A_77 = tpu.memref_slice %arg2[%dma_start3A_75, %dma_start3A_76] : memref<20480x128xf32, #tpu.memory_space<hbm>> -> memref<20480x128xf32, #tpu.memory_space<hbm>>
    tpu.enqueue_indirect_dma source(%dma_start3A_77 : memref<20480x128xf32, #tpu.memory_space<hbm>>) target(%dma_start3A_71 : memref<128x128xf32, #tpu.memory_space<vmem>>) offsets(%dma_start3A_74 : memref<128xi32, #tpu.memory_space<vmem>>) semaphore(%arg10 : memref<!tpu.dma_semaphore, #tpu.memory_space<semaphore_mem>>)
    %dma_start3A_78 = arith.constant 1 : i32
    %dma_start3A_79 = arith.constant 1 : i32
    %dma_start3A_80 = arith.constant 0 : i32
    %dma_start3A_81 = arith.constant 0 : i32
    %dma_start3A_82 = tpu.memref_slice %arg9[%dma_start3A_79, %dma_start3A_80, %dma_start3A_81] : memref<2x128x128xf32, #tpu.memory_space<vmem>> -> memref<1x128x128xf32, #tpu.memory_space<vmem>>
    %dma_start3A_83 = tpu.memref_squeeze %dma_start3A_82 : memref<1x128x128xf32, #tpu.memory_space<vmem>> -> memref<128x128xf32, #tpu.memory_space<vmem>>
    %dma_start3A_84 = arith.constant 0 : i32
    %dma_start3A_85 = tpu.memref_slice %arg7[%dma_start3A_78, %dma_start3A_84] : memref<40x128xi32, #tpu.memory_space<vmem>> -> memref<1x128xi32, #tpu.memory_space<vmem>>
    %dma_start3A_86 = tpu.memref_squeeze %dma_start3A_85 : memref<1x128xi32, #tpu.memory_space<vmem>> -> memref<128xi32, #tpu.memory_space<vmem>>
    %dma_start3A_87 = arith.constant 0 : i32
    %dma_start3A_88 = arith.constant 0 : i32
    %dma_start3A_89 = tpu.memref_slice %arg2[%dma_start3A_87, %dma_start3A_88] : memref<20480x128xf32, #tpu.memory_space<hbm>> -> memref<20480x128xf32, #tpu.memory_space<hbm>>
    tpu.enqueue_indirect_dma source(%dma_start3A_89 : memref<20480x128xf32, #tpu.memory_space<hbm>>) target(%dma_start3A_83 : memref<128x128xf32, #tpu.memory_space<vmem>>) offsets(%dma_start3A_86 : memref<128xi32, #tpu.memory_space<vmem>>) semaphore(%arg11 : memref<!tpu.dma_semaphore, #tpu.memory_space<semaphore_mem>>)
    %scan3A_90 = arith.constant 0 : i32
    %scan3A_91 = arith.constant 0 : i32
    %scan3A_92 = arith.constant 20 : i32
    %scan3A_93 = arith.addi %scan3A_91, %scan3A_92 : i32
    %scan3A_94 = arith.constant 1 : i32
    scf.for %scan3A_128 = %scan3A_91 to %scan3A_93 step %scan3A_94  : i32 {
      %mul3A_129 = arith.constant 2 : i32
      %mul3A_130 = arith.muli %mul3A_129, %scan3A_128 : i32
      %add3A_131 = arith.constant 0 : i32
      %add3A_132 = arith.addi %mul3A_130, %add3A_131 : i32
      %dma_wait3A_133 = arith.constant 0 : i32
      %dma_wait3A_134 = arith.constant 0 : i32
      %dma_wait3A_135 = arith.constant 0 : i32
      %dma_wait3A_136 = arith.constant 0 : i32
      %dma_wait3A_137 = tpu.memref_slice %arg9[%dma_wait3A_134, %dma_wait3A_135, %dma_wait3A_136] : memref<2x128x128xf32, #tpu.memory_space<vmem>> -> memref<1x128x128xf32, #tpu.memory_space<vmem>>
      %dma_wait3A_138 = tpu.memref_squeeze %dma_wait3A_137 : memref<1x128x128xf32, #tpu.memory_space<vmem>> -> memref<128x128xf32, #tpu.memory_space<vmem>>
      %dma_wait3A_139 = arith.constant 0 : i32
      %dma_wait3A_140 = tpu.memref_slice %arg7[%dma_wait3A_133, %dma_wait3A_139] : memref<40x128xi32, #tpu.memory_space<vmem>> -> memref<1x128xi32, #tpu.memory_space<vmem>>
      %dma_wait3A_141 = tpu.memref_squeeze %dma_wait3A_140 : memref<1x128xi32, #tpu.memory_space<vmem>> -> memref<128xi32, #tpu.memory_space<vmem>>
      %dma_wait3A_142 = arith.constant 0 : i32
      %dma_wait3A_143 = arith.constant 0 : i32
      %dma_wait3A_144 = tpu.memref_slice %arg2[%dma_wait3A_142, %dma_wait3A_143] : memref<20480x128xf32, #tpu.memory_space<hbm>> -> memref<20480x128xf32, #tpu.memory_space<hbm>>
      tpu.wait_indirect_dma semaphore(%arg10 : memref<!tpu.dma_semaphore, #tpu.memory_space<semaphore_mem>>) src(%dma_wait3A_144 : memref<20480x128xf32, #tpu.memory_space<hbm>>) dst(%dma_wait3A_138 : memref<128x128xf32, #tpu.memory_space<vmem>>)
      %dma_start3A_145 = arith.constant 0 : i32
      %dma_start3A_146 = arith.constant 0 : i32
      %dma_start3A_147 = arith.constant 0 : i32
      %dma_start3A_148 = tpu.memref_slice %arg9[%dma_start3A_145, %dma_start3A_146, %dma_start3A_147] : memref<2x128x128xf32, #tpu.memory_space<vmem>> -> memref<1x128x128xf32, #tpu.memory_space<vmem>>
      %dma_start3A_149 = tpu.memref_squeeze %dma_start3A_148 : memref<1x128x128xf32, #tpu.memory_space<vmem>> -> memref<128x128xf32, #tpu.memory_space<vmem>>
      %dma_start3A_150 = arith.constant 0 : i32
      %dma_start3A_151 = tpu.memref_slice %arg8[%add3A_132, %dma_start3A_150] : memref<40x128xi32, #tpu.memory_space<vmem>> -> memref<1x128xi32, #tpu.memory_space<vmem>>
      %dma_start3A_152 = tpu.memref_squeeze %dma_start3A_151 : memref<1x128xi32, #tpu.memory_space<vmem>> -> memref<128xi32, #tpu.memory_space<vmem>>
      %dma_start3A_153 = arith.constant 0 : i32
      %dma_start3A_154 = arith.constant 0 : i32
      %dma_start3A_155 = tpu.memref_slice %arg6[%dma_start3A_153, %dma_start3A_154] : memref<10240x128xf32, #tpu.memory_space<vmem_shared>> -> memref<10240x128xf32, #tpu.memory_space<vmem_shared>>
      tpu.enqueue_indirect_dma source(%dma_start3A_149 : memref<128x128xf32, #tpu.memory_space<vmem>>) target(%dma_start3A_155 : memref<10240x128xf32, #tpu.memory_space<vmem_shared>>) offsets(%dma_start3A_152 : memref<128xi32, #tpu.memory_space<vmem>>) semaphore(%arg12 : memref<!tpu.dma_semaphore, #tpu.memory_space<semaphore_mem>>) {add = true}
      %lt3A = arith.constant 38 : i32
      %lt3A_156 = arith.cmpi slt, %add3A_132, %lt3A : i32
      %convert_element_type3A = arith.extui %lt3A_156 : i1 to i32
      %cond3A = arith.constant 0 : i32
      %cond3A_157 = arith.cmpi ne, %convert_element_type3A, %cond3A : i32
      scf.if %cond3A_157 {
        %dma_wait3A_190 = arith.constant 0 : i32
        %dma_wait3A_191 = arith.constant 0 : i32
        %dma_wait3A_192 = arith.constant 0 : i32
        %dma_wait3A_193 = arith.constant 0 : i32
        %dma_wait3A_194 = tpu.memref_slice %arg9[%dma_wait3A_190, %dma_wait3A_192, %dma_wait3A_193] : memref<2x128x128xf32, #tpu.memory_space<vmem>> -> memref<1x128x128xf32, #tpu.memory_space<vmem>>
        %dma_wait3A_195 = tpu.memref_squeeze %dma_wait3A_194 : memref<1x128x128xf32, #tpu.memory_space<vmem>> -> memref<128x128xf32, #tpu.memory_space<vmem>>
        %dma_wait3A_196 = arith.constant 0 : i32
        %dma_wait3A_197 = tpu.memref_slice %arg8[%dma_wait3A_191, %dma_wait3A_196] : memref<40x128xi32, #tpu.memory_space<vmem>> -> memref<1x128xi32, #tpu.memory_space<vmem>>
        %dma_wait3A_198 = tpu.memref_squeeze %dma_wait3A_197 : memref<1x128xi32, #tpu.memory_space<vmem>> -> memref<128xi32, #tpu.memory_space<vmem>>
        %dma_wait3A_199 = arith.constant 0 : i32
        %dma_wait3A_200 = arith.constant 0 : i32
        %dma_wait3A_201 = tpu.memref_slice %arg6[%dma_wait3A_199, %dma_wait3A_200] : memref<10240x128xf32, #tpu.memory_space<vmem_shared>> -> memref<10240x128xf32, #tpu.memory_space<vmem_shared>>
        tpu.wait_indirect_dma semaphore(%arg12 : memref<!tpu.dma_semaphore, #tpu.memory_space<semaphore_mem>>) src(%dma_wait3A_195 : memref<128x128xf32, #tpu.memory_space<vmem>>) dst(%dma_wait3A_201 : memref<10240x128xf32, #tpu.memory_space<vmem_shared>>)
        %add3A_202 = arith.constant 2 : i32
        %add3A_203 = arith.addi %add3A_132, %add3A_202 : i32
        %dma_start3A_204 = arith.constant 0 : i32
        %dma_start3A_205 = arith.constant 0 : i32
        %dma_start3A_206 = arith.constant 0 : i32
        %dma_start3A_207 = tpu.memref_slice %arg9[%dma_start3A_204, %dma_start3A_205, %dma_start3A_206] : memref<2x128x128xf32, #tpu.memory_space<vmem>> -> memref<1x128x128xf32, #tpu.memory_space<vmem>>
        %dma_start3A_208 = tpu.memref_squeeze %dma_start3A_207 : memref<1x128x128xf32, #tpu.memory_space<vmem>> -> memref<128x128xf32, #tpu.memory_space<vmem>>
        %dma_start3A_209 = arith.constant 0 : i32
        %dma_start3A_210 = tpu.memref_slice %arg7[%add3A_203, %dma_start3A_209] : memref<40x128xi32, #tpu.memory_space<vmem>> -> memref<1x128xi32, #tpu.memory_space<vmem>>
        %dma_start3A_211 = tpu.memref_squeeze %dma_start3A_210 : memref<1x128xi32, #tpu.memory_space<vmem>> -> memref<128xi32, #tpu.memory_space<vmem>>
        %dma_start3A_212 = arith.constant 0 : i32
        %dma_start3A_213 = arith.constant 0 : i32
        %dma_start3A_214 = tpu.memref_slice %arg2[%dma_start3A_212, %dma_start3A_213] : memref<20480x128xf32, #tpu.memory_space<hbm>> -> memref<20480x128xf32, #tpu.memory_space<hbm>>
        tpu.enqueue_indirect_dma source(%dma_start3A_214 : memref<20480x128xf32, #tpu.memory_space<hbm>>) target(%dma_start3A_208 : memref<128x128xf32, #tpu.memory_space<vmem>>) offsets(%dma_start3A_211 : memref<128xi32, #tpu.memory_space<vmem>>) semaphore(%arg10 : memref<!tpu.dma_semaphore, #tpu.memory_space<semaphore_mem>>)
      } else {
      }
      %mul3A_158 = arith.constant 2 : i32
      %mul3A_159 = arith.muli %mul3A_158, %scan3A_128 : i32
      %add3A_160 = arith.constant 1 : i32
      %add3A_161 = arith.addi %mul3A_159, %add3A_160 : i32
      %dma_wait3A_162 = arith.constant 0 : i32
      %dma_wait3A_163 = arith.constant 1 : i32
      %dma_wait3A_164 = arith.constant 0 : i32
      %dma_wait3A_165 = arith.constant 0 : i32
      %dma_wait3A_166 = tpu.memref_slice %arg9[%dma_wait3A_163, %dma_wait3A_164, %dma_wait3A_165] : memref<2x128x128xf32, #tpu.memory_space<vmem>> -> memref<1x128x128xf32, #tpu.memory_space<vmem>>
      %dma_wait3A_167 = tpu.memref_squeeze %dma_wait3A_166 : memref<1x128x128xf32, #tpu.memory_space<vmem>> -> memref<128x128xf32, #tpu.memory_space<vmem>>
      %dma_wait3A_168 = arith.constant 0 : i32
      %dma_wait3A_169 = tpu.memref_slice %arg7[%dma_wait3A_162, %dma_wait3A_168] : memref<40x128xi32, #tpu.memory_space<vmem>> -> memref<1x128xi32, #tpu.memory_space<vmem>>
      %dma_wait3A_170 = tpu.memref_squeeze %dma_wait3A_169 : memref<1x128xi32, #tpu.memory_space<vmem>> -> memref<128xi32, #tpu.memory_space<vmem>>
      %dma_wait3A_171 = arith.constant 0 : i32
      %dma_wait3A_172 = arith.constant 0 : i32
      %dma_wait3A_173 = tpu.memref_slice %arg2[%dma_wait3A_171, %dma_wait3A_172] : memref<20480x128xf32, #tpu.memory_space<hbm>> -> memref<20480x128xf32, #tpu.memory_space<hbm>>
      tpu.wait_indirect_dma semaphore(%arg11 : memref<!tpu.dma_semaphore, #tpu.memory_space<semaphore_mem>>) src(%dma_wait3A_173 : memref<20480x128xf32, #tpu.memory_space<hbm>>) dst(%dma_wait3A_167 : memref<128x128xf32, #tpu.memory_space<vmem>>)
      %dma_start3A_174 = arith.constant 1 : i32
      %dma_start3A_175 = arith.constant 0 : i32
      %dma_start3A_176 = arith.constant 0 : i32
      %dma_start3A_177 = tpu.memref_slice %arg9[%dma_start3A_174, %dma_start3A_175, %dma_start3A_176] : memref<2x128x128xf32, #tpu.memory_space<vmem>> -> memref<1x128x128xf32, #tpu.memory_space<vmem>>
      %dma_start3A_178 = tpu.memref_squeeze %dma_start3A_177 : memref<1x128x128xf32, #tpu.memory_space<vmem>> -> memref<128x128xf32, #tpu.memory_space<vmem>>
      %dma_start3A_179 = arith.constant 0 : i32
      %dma_start3A_180 = tpu.memref_slice %arg8[%add3A_161, %dma_start3A_179] : memref<40x128xi32, #tpu.memory_space<vmem>> -> memref<1x128xi32, #tpu.memory_space<vmem>>
      %dma_start3A_181 = tpu.memref_squeeze %dma_start3A_180 : memref<1x128xi32, #tpu.memory_space<vmem>> -> memref<128xi32, #tpu.memory_space<vmem>>
      %dma_start3A_182 = arith.constant 0 : i32
      %dma_start3A_183 = arith.constant 0 : i32
      %dma_start3A_184 = tpu.memref_slice %arg6[%dma_start3A_182, %dma_start3A_183] : memref<10240x128xf32, #tpu.memory_space<vmem_shared>> -> memref<10240x128xf32, #tpu.memory_space<vmem_shared>>
      tpu.enqueue_indirect_dma source(%dma_start3A_178 : memref<128x128xf32, #tpu.memory_space<vmem>>) target(%dma_start3A_184 : memref<10240x128xf32, #tpu.memory_space<vmem_shared>>) offsets(%dma_start3A_181 : memref<128xi32, #tpu.memory_space<vmem>>) semaphore(%arg13 : memref<!tpu.dma_semaphore, #tpu.memory_space<semaphore_mem>>) {add = true}
      %lt3A_185 = arith.constant 38 : i32
      %lt3A_186 = arith.cmpi slt, %add3A_161, %lt3A_185 : i32
      %convert_element_type3A_187 = arith.extui %lt3A_186 : i1 to i32
      %cond3A_188 = arith.constant 0 : i32
      %cond3A_189 = arith.cmpi ne, %convert_element_type3A_187, %cond3A_188 : i32
      scf.if %cond3A_189 {
        %dma_wait3A_190 = arith.constant 1 : i32
        %dma_wait3A_191 = arith.constant 0 : i32
        %dma_wait3A_192 = arith.constant 0 : i32
        %dma_wait3A_193 = arith.constant 0 : i32
        %dma_wait3A_194 = tpu.memref_slice %arg9[%dma_wait3A_190, %dma_wait3A_192, %dma_wait3A_193] : memref<2x128x128xf32, #tpu.memory_space<vmem>> -> memref<1x128x128xf32, #tpu.memory_space<vmem>>
        %dma_wait3A_195 = tpu.memref_squeeze %dma_wait3A_194 : memref<1x128x128xf32, #tpu.memory_space<vmem>> -> memref<128x128xf32, #tpu.memory_space<vmem>>
        %dma_wait3A_196 = arith.constant 0 : i32
        %dma_wait3A_197 = tpu.memref_slice %arg8[%dma_wait3A_191, %dma_wait3A_196] : memref<40x128xi32, #tpu.memory_space<vmem>> -> memref<1x128xi32, #tpu.memory_space<vmem>>
        %dma_wait3A_198 = tpu.memref_squeeze %dma_wait3A_197 : memref<1x128xi32, #tpu.memory_space<vmem>> -> memref<128xi32, #tpu.memory_space<vmem>>
        %dma_wait3A_199 = arith.constant 0 : i32
        %dma_wait3A_200 = arith.constant 0 : i32
        %dma_wait3A_201 = tpu.memref_slice %arg6[%dma_wait3A_199, %dma_wait3A_200] : memref<10240x128xf32, #tpu.memory_space<vmem_shared>> -> memref<10240x128xf32, #tpu.memory_space<vmem_shared>>
        tpu.wait_indirect_dma semaphore(%arg13 : memref<!tpu.dma_semaphore, #tpu.memory_space<semaphore_mem>>) src(%dma_wait3A_195 : memref<128x128xf32, #tpu.memory_space<vmem>>) dst(%dma_wait3A_201 : memref<10240x128xf32, #tpu.memory_space<vmem_shared>>)
        %add3A_202 = arith.constant 2 : i32
        %add3A_203 = arith.addi %add3A_161, %add3A_202 : i32
        %dma_start3A_204 = arith.constant 1 : i32
        %dma_start3A_205 = arith.constant 0 : i32
        %dma_start3A_206 = arith.constant 0 : i32
        %dma_start3A_207 = tpu.memref_slice %arg9[%dma_start3A_204, %dma_start3A_205, %dma_start3A_206] : memref<2x128x128xf32, #tpu.memory_space<vmem>> -> memref<1x128x128xf32, #tpu.memory_space<vmem>>
        %dma_start3A_208 = tpu.memref_squeeze %dma_start3A_207 : memref<1x128x128xf32, #tpu.memory_space<vmem>> -> memref<128x128xf32, #tpu.memory_space<vmem>>
        %dma_start3A_209 = arith.constant 0 : i32
        %dma_start3A_210 = tpu.memref_slice %arg7[%add3A_203, %dma_start3A_209] : memref<40x128xi32, #tpu.memory_space<vmem>> -> memref<1x128xi32, #tpu.memory_space<vmem>>
        %dma_start3A_211 = tpu.memref_squeeze %dma_start3A_210 : memref<1x128xi32, #tpu.memory_space<vmem>> -> memref<128xi32, #tpu.memory_space<vmem>>
        %dma_start3A_212 = arith.constant 0 : i32
        %dma_start3A_213 = arith.constant 0 : i32
        %dma_start3A_214 = tpu.memref_slice %arg2[%dma_start3A_212, %dma_start3A_213] : memref<20480x128xf32, #tpu.memory_space<hbm>> -> memref<20480x128xf32, #tpu.memory_space<hbm>>
        tpu.enqueue_indirect_dma source(%dma_start3A_214 : memref<20480x128xf32, #tpu.memory_space<hbm>>) target(%dma_start3A_208 : memref<128x128xf32, #tpu.memory_space<vmem>>) offsets(%dma_start3A_211 : memref<128xi32, #tpu.memory_space<vmem>>) semaphore(%arg11 : memref<!tpu.dma_semaphore, #tpu.memory_space<semaphore_mem>>)
      } else {
      }
    }
    %scan3A_95 = arith.constant 20 : i32
    %dma_wait3A_96 = arith.constant 0 : i32
    %dma_wait3A_97 = arith.constant 0 : i32
    %dma_wait3A_98 = arith.constant 0 : i32
    %dma_wait3A_99 = arith.constant 0 : i32
    %dma_wait3A_100 = tpu.memref_slice %arg9[%dma_wait3A_96, %dma_wait3A_98, %dma_wait3A_99] : memref<2x128x128xf32, #tpu.memory_space<vmem>> -> memref<1x128x128xf32, #tpu.memory_space<vmem>>
    %dma_wait3A_101 = tpu.memref_squeeze %dma_wait3A_100 : memref<1x128x128xf32, #tpu.memory_space<vmem>> -> memref<128x128xf32, #tpu.memory_space<vmem>>
    %dma_wait3A_102 = arith.constant 0 : i32
    %dma_wait3A_103 = tpu.memref_slice %arg8[%dma_wait3A_97, %dma_wait3A_102] : memref<40x128xi32, #tpu.memory_space<vmem>> -> memref<1x128xi32, #tpu.memory_space<vmem>>
    %dma_wait3A_104 = tpu.memref_squeeze %dma_wait3A_103 : memref<1x128xi32, #tpu.memory_space<vmem>> -> memref<128xi32, #tpu.memory_space<vmem>>
    %dma_wait3A_105 = arith.constant 0 : i32
    %dma_wait3A_106 = arith.constant 0 : i32
    %dma_wait3A_107 = tpu.memref_slice %arg6[%dma_wait3A_105, %dma_wait3A_106] : memref<10240x128xf32, #tpu.memory_space<vmem_shared>> -> memref<10240x128xf32, #tpu.memory_space<vmem_shared>>
    tpu.wait_indirect_dma semaphore(%arg12 : memref<!tpu.dma_semaphore, #tpu.memory_space<semaphore_mem>>) src(%dma_wait3A_101 : memref<128x128xf32, #tpu.memory_space<vmem>>) dst(%dma_wait3A_107 : memref<10240x128xf32, #tpu.memory_space<vmem_shared>>)
    %dma_wait3A_108 = arith.constant 1 : i32
    %dma_wait3A_109 = arith.constant 0 : i32
    %dma_wait3A_110 = arith.constant 0 : i32
    %dma_wait3A_111 = arith.constant 0 : i32
    %dma_wait3A_112 = tpu.memref_slice %arg9[%dma_wait3A_108, %dma_wait3A_110, %dma_wait3A_111] : memref<2x128x128xf32, #tpu.memory_space<vmem>> -> memref<1x128x128xf32, #tpu.memory_space<vmem>>
    %dma_wait3A_113 = tpu.memref_squeeze %dma_wait3A_112 : memref<1x128x128xf32, #tpu.memory_space<vmem>> -> memref<128x128xf32, #tpu.memory_space<vmem>>
    %dma_wait3A_114 = arith.constant 0 : i32
    %dma_wait3A_115 = tpu.memref_slice %arg8[%dma_wait3A_109, %dma_wait3A_114] : memref<40x128xi32, #tpu.memory_space<vmem>> -> memref<1x128xi32, #tpu.memory_space<vmem>>
    %dma_wait3A_116 = tpu.memref_squeeze %dma_wait3A_115 : memref<1x128xi32, #tpu.memory_space<vmem>> -> memref<128xi32, #tpu.memory_space<vmem>>
    %dma_wait3A_117 = arith.constant 0 : i32
    %dma_wait3A_118 = arith.constant 0 : i32
    %dma_wait3A_119 = tpu.memref_slice %arg6[%dma_wait3A_117, %dma_wait3A_118] : memref<10240x128xf32, #tpu.memory_space<vmem_shared>> -> memref<10240x128xf32, #tpu.memory_space<vmem_shared>>
    tpu.wait_indirect_dma semaphore(%arg13 : memref<!tpu.dma_semaphore, #tpu.memory_space<semaphore_mem>>) src(%dma_wait3A_113 : memref<128x128xf32, #tpu.memory_space<vmem>>) dst(%dma_wait3A_119 : memref<10240x128xf32, #tpu.memory_space<vmem_shared>>)
    %barrier3A_120 = arith.constant 0 : index
    tpu.barrier barrier_id(%barrier3A_120)
    %mul3A_121 = arith.constant 640 : i32
    %mul3A_122 = arith.muli %arg1, %mul3A_121 : i32
    %mul3A_123 = arith.constant 10240 : i32
    %mul3A_124 = arith.muli %arg0, %mul3A_123 : i32
    %mul3A_125 = arith.constant 640 : i32
    %mul3A_126 = arith.muli %arg1, %mul3A_125 : i32
    %add3A_127 = arith.addi %mul3A_124, %mul3A_126 : i32
    "tpu.region"() ({
      %run_scoped3A = tpu.sem_alloc : memref<!tpu.dma_semaphore, #tpu.memory_space<semaphore_mem>>
      %dma_start3A_128 = arith.constant 0 : i32
      %dma_start3A_129 = tpu.memref_slice %arg5[%add3A_127, %dma_start3A_128] : memref<20480x128xf32, #tpu.memory_space<hbm>> -> memref<640x128xf32, #tpu.memory_space<hbm>>
      %dma_start3A_130 = arith.constant 0 : i32
      %dma_start3A_131 = tpu.memref_slice %arg6[%mul3A_122, %dma_start3A_130] : memref<10240x128xf32, #tpu.memory_space<vmem_shared>> -> memref<640x128xf32, #tpu.memory_space<vmem_shared>>
      tpu.enqueue_dma source(%dma_start3A_131 : memref<640x128xf32, #tpu.memory_space<vmem_shared>>) target(%dma_start3A_129 : memref<640x128xf32, #tpu.memory_space<hbm>>) target_semaphore(%run_scoped3A : memref<!tpu.dma_semaphore, #tpu.memory_space<semaphore_mem>>)
      %dma_wait3A_132 = arith.constant 0 : i32
      %dma_wait3A_133 = tpu.memref_slice %arg5[%add3A_127, %dma_wait3A_132] : memref<20480x128xf32, #tpu.memory_space<hbm>> -> memref<640x128xf32, #tpu.memory_space<hbm>>
      %dma_wait3A_134 = arith.constant 0 : i32
      %dma_wait3A_135 = tpu.memref_slice %arg6[%mul3A_122, %dma_wait3A_134] : memref<10240x128xf32, #tpu.memory_space<vmem_shared>> -> memref<640x128xf32, #tpu.memory_space<vmem_shared>>
      tpu.wait_dma2 semaphore(%run_scoped3A : memref<!tpu.dma_semaphore, #tpu.memory_space<semaphore_mem>>) src(%dma_wait3A_135 : memref<640x128xf32, #tpu.memory_space<vmem_shared>>) dst(%dma_wait3A_133 : memref<640x128xf32, #tpu.memory_space<hbm>>)
      tpu.yield
    }) : () -> ()
    return
  }
}

#map = affine_map<(d0, d1) -> (0, 0)>
#map1 = affine_map<(d0, d1) -> (0)>
module attributes {stable_mosaic.version = 14 : i64} {
  func.func @_hist_k(%arg0: i32, %arg1: i32, %arg2: memref<1280x128xi32, #tpu.memory_space<hbm>>, %arg3: memref<20480xf32, #tpu.memory_space<hbm>>, %arg4: memref<10240xf32, #tpu.memory_space<vmem_shared>>, %arg5: memref<640xf32, #tpu.memory_space<vmem>>, %arg6: memref<128xf32, #tpu.memory_space<vmem>>, %arg7: memref<40x128xi32, #tpu.memory_space<vmem>>, %arg8: memref<!tpu.dma_semaphore, #tpu.memory_space<semaphore_mem>>, %arg9: memref<!tpu.dma_semaphore, #tpu.memory_space<semaphore_mem>>, %arg10: memref<!tpu.dma_semaphore, #tpu.memory_space<semaphore_mem>>, %arg11: memref<!tpu.dma_semaphore, #tpu.memory_space<semaphore_mem>>) attributes {dimension_semantics = [#tpu.dimension_semantics<core_parallel>, #tpu.dimension_semantics<subcore_parallel>], iteration_bounds = array<i64: 2, 16>, scalar_prefetch = 0 : i64, scratch_operands = 8 : i64, tpu.core_type = #tpu.core_type<sc_vector_subcore>, window_params = [{transform_indices = #map}, {transform_indices = #map1}]} {
    %mul3A = arith.constant 2 : i32
    %mul3A_0 = arith.muli %arg1, %mul3A : i32
    %add3A = arith.addi %mul3A_0, %arg0 : i32
    %broadcast_in_dim3A = arith.constant 0.000000e+00 : f32
    %broadcast_in_dim3A_1 = vector.broadcast %broadcast_in_dim3A : f32 to vector<16xf32>
    %broadcast_in_dim3A_2 = arith.constant 1.000000e+00 : f32
    %broadcast_in_dim3A_3 = vector.broadcast %broadcast_in_dim3A_2 : f32 to vector<16xf32>
    %swap3A = arith.constant 0 : index
    %swap3A_4 = tpu.vector_load %arg5[%swap3A] {strides = array<i32>} : memref<640xf32, #tpu.memory_space<vmem>>, vector<16xf32>,
    %swap3A_5 = vector.shape_cast %swap3A_4 : vector<16xf32> to vector<16xf32>
    %swap3A_6 = vector.shape_cast %broadcast_in_dim3A_1 : vector<16xf32> to vector<16xf32>
    tpu.vector_store %arg5[%swap3A], %swap3A_6 {strides = array<i32>} : memref<640xf32, #tpu.memory_space<vmem>>, vector<16xf32>,
    %swap3A_7 = arith.constant 16 : index
    %swap3A_8 = tpu.vector_load %arg5[%swap3A_7] {strides = array<i32>} : memref<640xf32, #tpu.memory_space<vmem>>, vector<16xf32>,
    %swap3A_9 = vector.shape_cast %swap3A_8 : vector<16xf32> to vector<16xf32>
    %swap3A_10 = vector.shape_cast %broadcast_in_dim3A_1 : vector<16xf32> to vector<16xf32>
    tpu.vector_store %arg5[%swap3A_7], %swap3A_10 {strides = array<i32>} : memref<640xf32, #tpu.memory_space<vmem>>, vector<16xf32>,
    %swap3A_11 = arith.constant 32 : index
    %swap3A_12 = tpu.vector_load %arg5[%swap3A_11] {strides = array<i32>} : memref<640xf32, #tpu.memory_space<vmem>>, vector<16xf32>,
    %swap3A_13 = vector.shape_cast %swap3A_12 : vector<16xf32> to vector<16xf32>
    %swap3A_14 = vector.shape_cast %broadcast_in_dim3A_1 : vector<16xf32> to vector<16xf32>
    tpu.vector_store %arg5[%swap3A_11], %swap3A_14 {strides = array<i32>} : memref<640xf32, #tpu.memory_space<vmem>>, vector<16xf32>,
    %swap3A_15 = arith.constant 48 : index
    %swap3A_16 = tpu.vector_load %arg5[%swap3A_15] {strides = array<i32>} : memref<640xf32, #tpu.memory_space<vmem>>, vector<16xf32>,
    %swap3A_17 = vector.shape_cast %swap3A_16 : vector<16xf32> to vector<16xf32>
    %swap3A_18 = vector.shape_cast %broadcast_in_dim3A_1 : vector<16xf32> to vector<16xf32>
    tpu.vector_store %arg5[%swap3A_15], %swap3A_18 {strides = array<i32>} : memref<640xf32, #tpu.memory_space<vmem>>, vector<16xf32>,
    %swap3A_19 = arith.constant 64 : index
    %swap3A_20 = tpu.vector_load %arg5[%swap3A_19] {strides = array<i32>} : memref<640xf32, #tpu.memory_space<vmem>>, vector<16xf32>,
    %swap3A_21 = vector.shape_cast %swap3A_20 : vector<16xf32> to vector<16xf32>
    %swap3A_22 = vector.shape_cast %broadcast_in_dim3A_1 : vector<16xf32> to vector<16xf32>
    tpu.vector_store %arg5[%swap3A_19], %swap3A_22 {strides = array<i32>} : memref<640xf32, #tpu.memory_space<vmem>>, vector<16xf32>,
    %swap3A_23 = arith.constant 80 : index
    %swap3A_24 = tpu.vector_load %arg5[%swap3A_23] {strides = array<i32>} : memref<640xf32, #tpu.memory_space<vmem>>, vector<16xf32>,
    %swap3A_25 = vector.shape_cast %swap3A_24 : vector<16xf32> to vector<16xf32>
    %swap3A_26 = vector.shape_cast %broadcast_in_dim3A_1 : vector<16xf32> to vector<16xf32>
    tpu.vector_store %arg5[%swap3A_23], %swap3A_26 {strides = array<i32>} : memref<640xf32, #tpu.memory_space<vmem>>, vector<16xf32>,
    %swap3A_27 = arith.constant 96 : index
    %swap3A_28 = tpu.vector_load %arg5[%swap3A_27] {strides = array<i32>} : memref<640xf32, #tpu.memory_space<vmem>>, vector<16xf32>,
    %swap3A_29 = vector.shape_cast %swap3A_28 : vector<16xf32> to vector<16xf32>
    %swap3A_30 = vector.shape_cast %broadcast_in_dim3A_1 : vector<16xf32> to vector<16xf32>
    tpu.vector_store %arg5[%swap3A_27], %swap3A_30 {strides = array<i32>} : memref<640xf32, #tpu.memory_space<vmem>>, vector<16xf32>,
    %swap3A_31 = arith.constant 112 : index
    %swap3A_32 = tpu.vector_load %arg5[%swap3A_31] {strides = array<i32>} : memref<640xf32, #tpu.memory_space<vmem>>, vector<16xf32>,
    %swap3A_33 = vector.shape_cast %swap3A_32 : vector<16xf32> to vector<16xf32>
    %swap3A_34 = vector.shape_cast %broadcast_in_dim3A_1 : vector<16xf32> to vector<16xf32>
    tpu.vector_store %arg5[%swap3A_31], %swap3A_34 {strides = array<i32>} : memref<640xf32, #tpu.memory_space<vmem>>, vector<16xf32>,
    %swap3A_35 = arith.constant 128 : index
    %swap3A_36 = tpu.vector_load %arg5[%swap3A_35] {strides = array<i32>} : memref<640xf32, #tpu.memory_space<vmem>>, vector<16xf32>,
    %swap3A_37 = vector.shape_cast %swap3A_36 : vector<16xf32> to vector<16xf32>
    %swap3A_38 = vector.shape_cast %broadcast_in_dim3A_1 : vector<16xf32> to vector<16xf32>
    tpu.vector_store %arg5[%swap3A_35], %swap3A_38 {strides = array<i32>} : memref<640xf32, #tpu.memory_space<vmem>>, vector<16xf32>,
    %swap3A_39 = arith.constant 144 : index
    %swap3A_40 = tpu.vector_load %arg5[%swap3A_39] {strides = array<i32>} : memref<640xf32, #tpu.memory_space<vmem>>, vector<16xf32>,
    %swap3A_41 = vector.shape_cast %swap3A_40 : vector<16xf32> to vector<16xf32>
    %swap3A_42 = vector.shape_cast %broadcast_in_dim3A_1 : vector<16xf32> to vector<16xf32>
    tpu.vector_store %arg5[%swap3A_39], %swap3A_42 {strides = array<i32>} : memref<640xf32, #tpu.memory_space<vmem>>, vector<16xf32>,
    %swap3A_43 = arith.constant 160 : index
    %swap3A_44 = tpu.vector_load %arg5[%swap3A_43] {strides = array<i32>} : memref<640xf32, #tpu.memory_space<vmem>>, vector<16xf32>,
    %swap3A_45 = vector.shape_cast %swap3A_44 : vector<16xf32> to vector<16xf32>
    %swap3A_46 = vector.shape_cast %broadcast_in_dim3A_1 : vector<16xf32> to vector<16xf32>
    tpu.vector_store %arg5[%swap3A_43], %swap3A_46 {strides = array<i32>} : memref<640xf32, #tpu.memory_space<vmem>>, vector<16xf32>,
    %swap3A_47 = arith.constant 176 : index
    %swap3A_48 = tpu.vector_load %arg5[%swap3A_47] {strides = array<i32>} : memref<640xf32, #tpu.memory_space<vmem>>, vector<16xf32>,
    %swap3A_49 = vector.shape_cast %swap3A_48 : vector<16xf32> to vector<16xf32>
    %swap3A_50 = vector.shape_cast %broadcast_in_dim3A_1 : vector<16xf32> to vector<16xf32>
    tpu.vector_store %arg5[%swap3A_47], %swap3A_50 {strides = array<i32>} : memref<640xf32, #tpu.memory_space<vmem>>, vector<16xf32>,
    %swap3A_51 = arith.constant 192 : index
    %swap3A_52 = tpu.vector_load %arg5[%swap3A_51] {strides = array<i32>} : memref<640xf32, #tpu.memory_space<vmem>>, vector<16xf32>,
    %swap3A_53 = vector.shape_cast %swap3A_52 : vector<16xf32> to vector<16xf32>
    %swap3A_54 = vector.shape_cast %broadcast_in_dim3A_1 : vector<16xf32> to vector<16xf32>
    tpu.vector_store %arg5[%swap3A_51], %swap3A_54 {strides = array<i32>} : memref<640xf32, #tpu.memory_space<vmem>>, vector<16xf32>,
    %swap3A_55 = arith.constant 208 : index
    %swap3A_56 = tpu.vector_load %arg5[%swap3A_55] {strides = array<i32>} : memref<640xf32, #tpu.memory_space<vmem>>, vector<16xf32>,
    %swap3A_57 = vector.shape_cast %swap3A_56 : vector<16xf32> to vector<16xf32>
    %swap3A_58 = vector.shape_cast %broadcast_in_dim3A_1 : vector<16xf32> to vector<16xf32>
    tpu.vector_store %arg5[%swap3A_55], %swap3A_58 {strides = array<i32>} : memref<640xf32, #tpu.memory_space<vmem>>, vector<16xf32>,
    %swap3A_59 = arith.constant 224 : index
    %swap3A_60 = tpu.vector_load %arg5[%swap3A_59] {strides = array<i32>} : memref<640xf32, #tpu.memory_space<vmem>>, vector<16xf32>,
    %swap3A_61 = vector.shape_cast %swap3A_60 : vector<16xf32> to vector<16xf32>
    %swap3A_62 = vector.shape_cast %broadcast_in_dim3A_1 : vector<16xf32> to vector<16xf32>
    tpu.vector_store %arg5[%swap3A_59], %swap3A_62 {strides = array<i32>} : memref<640xf32, #tpu.memory_space<vmem>>, vector<16xf32>,
    %swap3A_63 = arith.constant 240 : index
    %swap3A_64 = tpu.vector_load %arg5[%swap3A_63] {strides = array<i32>} : memref<640xf32, #tpu.memory_space<vmem>>, vector<16xf32>,
    %swap3A_65 = vector.shape_cast %swap3A_64 : vector<16xf32> to vector<16xf32>
    %swap3A_66 = vector.shape_cast %broadcast_in_dim3A_1 : vector<16xf32> to vector<16xf32>
    tpu.vector_store %arg5[%swap3A_63], %swap3A_66 {strides = array<i32>} : memref<640xf32, #tpu.memory_space<vmem>>, vector<16xf32>,
    %swap3A_67 = arith.constant 256 : index
    %swap3A_68 = tpu.vector_load %arg5[%swap3A_67] {strides = array<i32>} : memref<640xf32, #tpu.memory_space<vmem>>, vector<16xf32>,
    %swap3A_69 = vector.shape_cast %swap3A_68 : vector<16xf32> to vector<16xf32>
    %swap3A_70 = vector.shape_cast %broadcast_in_dim3A_1 : vector<16xf32> to vector<16xf32>
    tpu.vector_store %arg5[%swap3A_67], %swap3A_70 {strides = array<i32>} : memref<640xf32, #tpu.memory_space<vmem>>, vector<16xf32>,
    %swap3A_71 = arith.constant 272 : index
    %swap3A_72 = tpu.vector_load %arg5[%swap3A_71] {strides = array<i32>} : memref<640xf32, #tpu.memory_space<vmem>>, vector<16xf32>,
    %swap3A_73 = vector.shape_cast %swap3A_72 : vector<16xf32> to vector<16xf32>
    %swap3A_74 = vector.shape_cast %broadcast_in_dim3A_1 : vector<16xf32> to vector<16xf32>
    tpu.vector_store %arg5[%swap3A_71], %swap3A_74 {strides = array<i32>} : memref<640xf32, #tpu.memory_space<vmem>>, vector<16xf32>,
    %swap3A_75 = arith.constant 288 : index
    %swap3A_76 = tpu.vector_load %arg5[%swap3A_75] {strides = array<i32>} : memref<640xf32, #tpu.memory_space<vmem>>, vector<16xf32>,
    %swap3A_77 = vector.shape_cast %swap3A_76 : vector<16xf32> to vector<16xf32>
    %swap3A_78 = vector.shape_cast %broadcast_in_dim3A_1 : vector<16xf32> to vector<16xf32>
    tpu.vector_store %arg5[%swap3A_75], %swap3A_78 {strides = array<i32>} : memref<640xf32, #tpu.memory_space<vmem>>, vector<16xf32>,
    %swap3A_79 = arith.constant 304 : index
    %swap3A_80 = tpu.vector_load %arg5[%swap3A_79] {strides = array<i32>} : memref<640xf32, #tpu.memory_space<vmem>>, vector<16xf32>,
    %swap3A_81 = vector.shape_cast %swap3A_80 : vector<16xf32> to vector<16xf32>
    %swap3A_82 = vector.shape_cast %broadcast_in_dim3A_1 : vector<16xf32> to vector<16xf32>
    tpu.vector_store %arg5[%swap3A_79], %swap3A_82 {strides = array<i32>} : memref<640xf32, #tpu.memory_space<vmem>>, vector<16xf32>,
    %swap3A_83 = arith.constant 320 : index
    %swap3A_84 = tpu.vector_load %arg5[%swap3A_83] {strides = array<i32>} : memref<640xf32, #tpu.memory_space<vmem>>, vector<16xf32>,
    %swap3A_85 = vector.shape_cast %swap3A_84 : vector<16xf32> to vector<16xf32>
    %swap3A_86 = vector.shape_cast %broadcast_in_dim3A_1 : vector<16xf32> to vector<16xf32>
    tpu.vector_store %arg5[%swap3A_83], %swap3A_86 {strides = array<i32>} : memref<640xf32, #tpu.memory_space<vmem>>, vector<16xf32>,
    %swap3A_87 = arith.constant 336 : index
    %swap3A_88 = tpu.vector_load %arg5[%swap3A_87] {strides = array<i32>} : memref<640xf32, #tpu.memory_space<vmem>>, vector<16xf32>,
    %swap3A_89 = vector.shape_cast %swap3A_88 : vector<16xf32> to vector<16xf32>
    %swap3A_90 = vector.shape_cast %broadcast_in_dim3A_1 : vector<16xf32> to vector<16xf32>
    tpu.vector_store %arg5[%swap3A_87], %swap3A_90 {strides = array<i32>} : memref<640xf32, #tpu.memory_space<vmem>>, vector<16xf32>,
    %swap3A_91 = arith.constant 352 : index
    %swap3A_92 = tpu.vector_load %arg5[%swap3A_91] {strides = array<i32>} : memref<640xf32, #tpu.memory_space<vmem>>, vector<16xf32>,
    %swap3A_93 = vector.shape_cast %swap3A_92 : vector<16xf32> to vector<16xf32>
    %swap3A_94 = vector.shape_cast %broadcast_in_dim3A_1 : vector<16xf32> to vector<16xf32>
    tpu.vector_store %arg5[%swap3A_91], %swap3A_94 {strides = array<i32>} : memref<640xf32, #tpu.memory_space<vmem>>, vector<16xf32>,
    %swap3A_95 = arith.constant 368 : index
    %swap3A_96 = tpu.vector_load %arg5[%swap3A_95] {strides = array<i32>} : memref<640xf32, #tpu.memory_space<vmem>>, vector<16xf32>,
    %swap3A_97 = vector.shape_cast %swap3A_96 : vector<16xf32> to vector<16xf32>
    %swap3A_98 = vector.shape_cast %broadcast_in_dim3A_1 : vector<16xf32> to vector<16xf32>
    tpu.vector_store %arg5[%swap3A_95], %swap3A_98 {strides = array<i32>} : memref<640xf32, #tpu.memory_space<vmem>>, vector<16xf32>,
    %swap3A_99 = arith.constant 384 : index
    %swap3A_100 = tpu.vector_load %arg5[%swap3A_99] {strides = array<i32>} : memref<640xf32, #tpu.memory_space<vmem>>, vector<16xf32>,
    %swap3A_101 = vector.shape_cast %swap3A_100 : vector<16xf32> to vector<16xf32>
    %swap3A_102 = vector.shape_cast %broadcast_in_dim3A_1 : vector<16xf32> to vector<16xf32>
    tpu.vector_store %arg5[%swap3A_99], %swap3A_102 {strides = array<i32>} : memref<640xf32, #tpu.memory_space<vmem>>, vector<16xf32>,
    %swap3A_103 = arith.constant 400 : index
    %swap3A_104 = tpu.vector_load %arg5[%swap3A_103] {strides = array<i32>} : memref<640xf32, #tpu.memory_space<vmem>>, vector<16xf32>,
    %swap3A_105 = vector.shape_cast %swap3A_104 : vector<16xf32> to vector<16xf32>
    %swap3A_106 = vector.shape_cast %broadcast_in_dim3A_1 : vector<16xf32> to vector<16xf32>
    tpu.vector_store %arg5[%swap3A_103], %swap3A_106 {strides = array<i32>} : memref<640xf32, #tpu.memory_space<vmem>>, vector<16xf32>,
    %swap3A_107 = arith.constant 416 : index
    %swap3A_108 = tpu.vector_load %arg5[%swap3A_107] {strides = array<i32>} : memref<640xf32, #tpu.memory_space<vmem>>, vector<16xf32>,
    %swap3A_109 = vector.shape_cast %swap3A_108 : vector<16xf32> to vector<16xf32>
    %swap3A_110 = vector.shape_cast %broadcast_in_dim3A_1 : vector<16xf32> to vector<16xf32>
    tpu.vector_store %arg5[%swap3A_107], %swap3A_110 {strides = array<i32>} : memref<640xf32, #tpu.memory_space<vmem>>, vector<16xf32>,
    %swap3A_111 = arith.constant 432 : index
    %swap3A_112 = tpu.vector_load %arg5[%swap3A_111] {strides = array<i32>} : memref<640xf32, #tpu.memory_space<vmem>>, vector<16xf32>,
    %swap3A_113 = vector.shape_cast %swap3A_112 : vector<16xf32> to vector<16xf32>
    %swap3A_114 = vector.shape_cast %broadcast_in_dim3A_1 : vector<16xf32> to vector<16xf32>
    tpu.vector_store %arg5[%swap3A_111], %swap3A_114 {strides = array<i32>} : memref<640xf32, #tpu.memory_space<vmem>>, vector<16xf32>,
    %swap3A_115 = arith.constant 448 : index
    %swap3A_116 = tpu.vector_load %arg5[%swap3A_115] {strides = array<i32>} : memref<640xf32, #tpu.memory_space<vmem>>, vector<16xf32>,
    %swap3A_117 = vector.shape_cast %swap3A_116 : vector<16xf32> to vector<16xf32>
    %swap3A_118 = vector.shape_cast %broadcast_in_dim3A_1 : vector<16xf32> to vector<16xf32>
    tpu.vector_store %arg5[%swap3A_115], %swap3A_118 {strides = array<i32>} : memref<640xf32, #tpu.memory_space<vmem>>, vector<16xf32>,
    %swap3A_119 = arith.constant 464 : index
    %swap3A_120 = tpu.vector_load %arg5[%swap3A_119] {strides = array<i32>} : memref<640xf32, #tpu.memory_space<vmem>>, vector<16xf32>,
    %swap3A_121 = vector.shape_cast %swap3A_120 : vector<16xf32> to vector<16xf32>
    %swap3A_122 = vector.shape_cast %broadcast_in_dim3A_1 : vector<16xf32> to vector<16xf32>
    tpu.vector_store %arg5[%swap3A_119], %swap3A_122 {strides = array<i32>} : memref<640xf32, #tpu.memory_space<vmem>>, vector<16xf32>,
    %swap3A_123 = arith.constant 480 : index
    %swap3A_124 = tpu.vector_load %arg5[%swap3A_123] {strides = array<i32>} : memref<640xf32, #tpu.memory_space<vmem>>, vector<16xf32>,
    %swap3A_125 = vector.shape_cast %swap3A_124 : vector<16xf32> to vector<16xf32>
    %swap3A_126 = vector.shape_cast %broadcast_in_dim3A_1 : vector<16xf32> to vector<16xf32>
    tpu.vector_store %arg5[%swap3A_123], %swap3A_126 {strides = array<i32>} : memref<640xf32, #tpu.memory_space<vmem>>, vector<16xf32>,
    %swap3A_127 = arith.constant 496 : index
    %swap3A_128 = tpu.vector_load %arg5[%swap3A_127] {strides = array<i32>} : memref<640xf32, #tpu.memory_space<vmem>>, vector<16xf32>,
    %swap3A_129 = vector.shape_cast %swap3A_128 : vector<16xf32> to vector<16xf32>
    %swap3A_130 = vector.shape_cast %broadcast_in_dim3A_1 : vector<16xf32> to vector<16xf32>
    tpu.vector_store %arg5[%swap3A_127], %swap3A_130 {strides = array<i32>} : memref<640xf32, #tpu.memory_space<vmem>>, vector<16xf32>,
    %swap3A_131 = arith.constant 512 : index
    %swap3A_132 = tpu.vector_load %arg5[%swap3A_131] {strides = array<i32>} : memref<640xf32, #tpu.memory_space<vmem>>, vector<16xf32>,
    %swap3A_133 = vector.shape_cast %swap3A_132 : vector<16xf32> to vector<16xf32>
    %swap3A_134 = vector.shape_cast %broadcast_in_dim3A_1 : vector<16xf32> to vector<16xf32>
    tpu.vector_store %arg5[%swap3A_131], %swap3A_134 {strides = array<i32>} : memref<640xf32, #tpu.memory_space<vmem>>, vector<16xf32>,
    %swap3A_135 = arith.constant 528 : index
    %swap3A_136 = tpu.vector_load %arg5[%swap3A_135] {strides = array<i32>} : memref<640xf32, #tpu.memory_space<vmem>>, vector<16xf32>,
    %swap3A_137 = vector.shape_cast %swap3A_136 : vector<16xf32> to vector<16xf32>
    %swap3A_138 = vector.shape_cast %broadcast_in_dim3A_1 : vector<16xf32> to vector<16xf32>
    tpu.vector_store %arg5[%swap3A_135], %swap3A_138 {strides = array<i32>} : memref<640xf32, #tpu.memory_space<vmem>>, vector<16xf32>,
    %swap3A_139 = arith.constant 544 : index
    %swap3A_140 = tpu.vector_load %arg5[%swap3A_139] {strides = array<i32>} : memref<640xf32, #tpu.memory_space<vmem>>, vector<16xf32>,
    %swap3A_141 = vector.shape_cast %swap3A_140 : vector<16xf32> to vector<16xf32>
    %swap3A_142 = vector.shape_cast %broadcast_in_dim3A_1 : vector<16xf32> to vector<16xf32>
    tpu.vector_store %arg5[%swap3A_139], %swap3A_142 {strides = array<i32>} : memref<640xf32, #tpu.memory_space<vmem>>, vector<16xf32>,
    %swap3A_143 = arith.constant 560 : index
    %swap3A_144 = tpu.vector_load %arg5[%swap3A_143] {strides = array<i32>} : memref<640xf32, #tpu.memory_space<vmem>>, vector<16xf32>,
    %swap3A_145 = vector.shape_cast %swap3A_144 : vector<16xf32> to vector<16xf32>
    %swap3A_146 = vector.shape_cast %broadcast_in_dim3A_1 : vector<16xf32> to vector<16xf32>
    tpu.vector_store %arg5[%swap3A_143], %swap3A_146 {strides = array<i32>} : memref<640xf32, #tpu.memory_space<vmem>>, vector<16xf32>,
    %swap3A_147 = arith.constant 576 : index
    %swap3A_148 = tpu.vector_load %arg5[%swap3A_147] {strides = array<i32>} : memref<640xf32, #tpu.memory_space<vmem>>, vector<16xf32>,
    %swap3A_149 = vector.shape_cast %swap3A_148 : vector<16xf32> to vector<16xf32>
    %swap3A_150 = vector.shape_cast %broadcast_in_dim3A_1 : vector<16xf32> to vector<16xf32>
    tpu.vector_store %arg5[%swap3A_147], %swap3A_150 {strides = array<i32>} : memref<640xf32, #tpu.memory_space<vmem>>, vector<16xf32>,
    %swap3A_151 = arith.constant 592 : index
    %swap3A_152 = tpu.vector_load %arg5[%swap3A_151] {strides = array<i32>} : memref<640xf32, #tpu.memory_space<vmem>>, vector<16xf32>,
    %swap3A_153 = vector.shape_cast %swap3A_152 : vector<16xf32> to vector<16xf32>
    %swap3A_154 = vector.shape_cast %broadcast_in_dim3A_1 : vector<16xf32> to vector<16xf32>
    tpu.vector_store %arg5[%swap3A_151], %swap3A_154 {strides = array<i32>} : memref<640xf32, #tpu.memory_space<vmem>>, vector<16xf32>,
    %swap3A_155 = arith.constant 608 : index
    %swap3A_156 = tpu.vector_load %arg5[%swap3A_155] {strides = array<i32>} : memref<640xf32, #tpu.memory_space<vmem>>, vector<16xf32>,
    %swap3A_157 = vector.shape_cast %swap3A_156 : vector<16xf32> to vector<16xf32>
    %swap3A_158 = vector.shape_cast %broadcast_in_dim3A_1 : vector<16xf32> to vector<16xf32>
    tpu.vector_store %arg5[%swap3A_155], %swap3A_158 {strides = array<i32>} : memref<640xf32, #tpu.memory_space<vmem>>, vector<16xf32>,
    %swap3A_159 = arith.constant 624 : index
    %swap3A_160 = tpu.vector_load %arg5[%swap3A_159] {strides = array<i32>} : memref<640xf32, #tpu.memory_space<vmem>>, vector<16xf32>,
    %swap3A_161 = vector.shape_cast %swap3A_160 : vector<16xf32> to vector<16xf32>
    %swap3A_162 = vector.shape_cast %broadcast_in_dim3A_1 : vector<16xf32> to vector<16xf32>
    tpu.vector_store %arg5[%swap3A_159], %swap3A_162 {strides = array<i32>} : memref<640xf32, #tpu.memory_space<vmem>>, vector<16xf32>,
    %swap3A_163 = arith.constant 0 : index
    %swap3A_164 = tpu.vector_load %arg6[%swap3A_163] {strides = array<i32>} : memref<128xf32, #tpu.memory_space<vmem>>, vector<16xf32>,
    %swap3A_165 = vector.shape_cast %swap3A_164 : vector<16xf32> to vector<16xf32>
    %swap3A_166 = vector.shape_cast %broadcast_in_dim3A_3 : vector<16xf32> to vector<16xf32>
    tpu.vector_store %arg6[%swap3A_163], %swap3A_166 {strides = array<i32>} : memref<128xf32, #tpu.memory_space<vmem>>, vector<16xf32>,
    %swap3A_167 = arith.constant 16 : index
    %swap3A_168 = tpu.vector_load %arg6[%swap3A_167] {strides = array<i32>} : memref<128xf32, #tpu.memory_space<vmem>>, vector<16xf32>,
    %swap3A_169 = vector.shape_cast %swap3A_168 : vector<16xf32> to vector<16xf32>
    %swap3A_170 = vector.shape_cast %broadcast_in_dim3A_3 : vector<16xf32> to vector<16xf32>
    tpu.vector_store %arg6[%swap3A_167], %swap3A_170 {strides = array<i32>} : memref<128xf32, #tpu.memory_space<vmem>>, vector<16xf32>,
    %swap3A_171 = arith.constant 32 : index
    %swap3A_172 = tpu.vector_load %arg6[%swap3A_171] {strides = array<i32>} : memref<128xf32, #tpu.memory_space<vmem>>, vector<16xf32>,
    %swap3A_173 = vector.shape_cast %swap3A_172 : vector<16xf32> to vector<16xf32>
    %swap3A_174 = vector.shape_cast %broadcast_in_dim3A_3 : vector<16xf32> to vector<16xf32>
    tpu.vector_store %arg6[%swap3A_171], %swap3A_174 {strides = array<i32>} : memref<128xf32, #tpu.memory_space<vmem>>, vector<16xf32>,
    %swap3A_175 = arith.constant 48 : index
    %swap3A_176 = tpu.vector_load %arg6[%swap3A_175] {strides = array<i32>} : memref<128xf32, #tpu.memory_space<vmem>>, vector<16xf32>,
    %swap3A_177 = vector.shape_cast %swap3A_176 : vector<16xf32> to vector<16xf32>
    %swap3A_178 = vector.shape_cast %broadcast_in_dim3A_3 : vector<16xf32> to vector<16xf32>
    tpu.vector_store %arg6[%swap3A_175], %swap3A_178 {strides = array<i32>} : memref<128xf32, #tpu.memory_space<vmem>>, vector<16xf32>,
    %swap3A_179 = arith.constant 64 : index
    %swap3A_180 = tpu.vector_load %arg6[%swap3A_179] {strides = array<i32>} : memref<128xf32, #tpu.memory_space<vmem>>, vector<16xf32>,
    %swap3A_181 = vector.shape_cast %swap3A_180 : vector<16xf32> to vector<16xf32>
    %swap3A_182 = vector.shape_cast %broadcast_in_dim3A_3 : vector<16xf32> to vector<16xf32>
    tpu.vector_store %arg6[%swap3A_179], %swap3A_182 {strides = array<i32>} : memref<128xf32, #tpu.memory_space<vmem>>, vector<16xf32>,
    %swap3A_183 = arith.constant 80 : index
    %swap3A_184 = tpu.vector_load %arg6[%swap3A_183] {strides = array<i32>} : memref<128xf32, #tpu.memory_space<vmem>>, vector<16xf32>,
    %swap3A_185 = vector.shape_cast %swap3A_184 : vector<16xf32> to vector<16xf32>
    %swap3A_186 = vector.shape_cast %broadcast_in_dim3A_3 : vector<16xf32> to vector<16xf32>
    tpu.vector_store %arg6[%swap3A_183], %swap3A_186 {strides = array<i32>} : memref<128xf32, #tpu.memory_space<vmem>>, vector<16xf32>,
    %swap3A_187 = arith.constant 96 : index
    %swap3A_188 = tpu.vector_load %arg6[%swap3A_187] {strides = array<i32>} : memref<128xf32, #tpu.memory_space<vmem>>, vector<16xf32>,
    %swap3A_189 = vector.shape_cast %swap3A_188 : vector<16xf32> to vector<16xf32>
    %swap3A_190 = vector.shape_cast %broadcast_in_dim3A_3 : vector<16xf32> to vector<16xf32>
    tpu.vector_store %arg6[%swap3A_187], %swap3A_190 {strides = array<i32>} : memref<128xf32, #tpu.memory_space<vmem>>, vector<16xf32>,
    %swap3A_191 = arith.constant 112 : index
    %swap3A_192 = tpu.vector_load %arg6[%swap3A_191] {strides = array<i32>} : memref<128xf32, #tpu.memory_space<vmem>>, vector<16xf32>,
    %swap3A_193 = vector.shape_cast %swap3A_192 : vector<16xf32> to vector<16xf32>
    %swap3A_194 = vector.shape_cast %broadcast_in_dim3A_3 : vector<16xf32> to vector<16xf32>
    tpu.vector_store %arg6[%swap3A_191], %swap3A_194 {strides = array<i32>} : memref<128xf32, #tpu.memory_space<vmem>>, vector<16xf32>,
    %mul3A_195 = arith.constant 640 : i32
    %mul3A_196 = arith.muli %arg1, %mul3A_195 : i32
    "tpu.region"() ({
      %run_scoped3A = tpu.sem_alloc : memref<!tpu.dma_semaphore, #tpu.memory_space<semaphore_mem>>
      %dma_start3A = tpu.memref_slice %arg4[%mul3A_196] : memref<10240xf32, #tpu.memory_space<vmem_shared>> -> memref<640xf32, #tpu.memory_space<vmem_shared>>
      %dma_start3A_235 = tpu.memref_slice %arg4[%mul3A_196] : memref<10240xf32, #tpu.memory_space<vmem_shared>> -> memref<640xf32, #tpu.memory_space<vmem_shared>>
      tpu.enqueue_dma source(%arg5 : memref<640xf32, #tpu.memory_space<vmem>>) target(%dma_start3A_235 : memref<640xf32, #tpu.memory_space<vmem_shared>>) target_semaphore(%run_scoped3A : memref<!tpu.dma_semaphore, #tpu.memory_space<semaphore_mem>>)
      %dma_wait3A_236 = tpu.memref_slice %arg4[%mul3A_196] : memref<10240xf32, #tpu.memory_space<vmem_shared>> -> memref<640xf32, #tpu.memory_space<vmem_shared>>
      %dma_wait3A_237 = tpu.memref_slice %arg4[%mul3A_196] : memref<10240xf32, #tpu.memory_space<vmem_shared>> -> memref<640xf32, #tpu.memory_space<vmem_shared>>
      tpu.wait_dma2 semaphore(%run_scoped3A : memref<!tpu.dma_semaphore, #tpu.memory_space<semaphore_mem>>) src(%arg5 : memref<640xf32, #tpu.memory_space<vmem>>) dst(%dma_wait3A_237 : memref<640xf32, #tpu.memory_space<vmem_shared>>)
      tpu.yield
    }) : () -> ()
    %mul3A_197 = arith.constant 40 : i32
    %mul3A_198 = arith.muli %add3A, %mul3A_197 : i32
    "tpu.region"() ({
      %run_scoped3A = tpu.sem_alloc : memref<!tpu.dma_semaphore, #tpu.memory_space<semaphore_mem>>
      %dma_start3A = arith.constant 0 : i32
      %dma_start3A_235 = tpu.memref_slice %arg2[%mul3A_198, %dma_start3A] : memref<1280x128xi32, #tpu.memory_space<hbm>> -> memref<40x128xi32, #tpu.memory_space<hbm>>
      %dma_start3A_236 = arith.constant 0 : i32
      %dma_start3A_237 = tpu.memref_slice %arg2[%mul3A_198, %dma_start3A_236] : memref<1280x128xi32, #tpu.memory_space<hbm>> -> memref<40x128xi32, #tpu.memory_space<hbm>>
      tpu.enqueue_dma source(%dma_start3A_237 : memref<40x128xi32, #tpu.memory_space<hbm>>) target(%arg7 : memref<40x128xi32, #tpu.memory_space<vmem>>) target_semaphore(%run_scoped3A : memref<!tpu.dma_semaphore, #tpu.memory_space<semaphore_mem>>)
      %dma_wait3A_238 = arith.constant 0 : i32
      %dma_wait3A_239 = tpu.memref_slice %arg2[%mul3A_198, %dma_wait3A_238] : memref<1280x128xi32, #tpu.memory_space<hbm>> -> memref<40x128xi32, #tpu.memory_space<hbm>>
      %dma_wait3A_240 = arith.constant 0 : i32
      %dma_wait3A_241 = tpu.memref_slice %arg2[%mul3A_198, %dma_wait3A_240] : memref<1280x128xi32, #tpu.memory_space<hbm>> -> memref<40x128xi32, #tpu.memory_space<hbm>>
      tpu.wait_dma2 semaphore(%run_scoped3A : memref<!tpu.dma_semaphore, #tpu.memory_space<semaphore_mem>>) src(%dma_wait3A_241 : memref<40x128xi32, #tpu.memory_space<hbm>>) dst(%arg7 : memref<40x128xi32, #tpu.memory_space<vmem>>)
      tpu.yield
    }) : () -> ()
    %barrier3A = arith.constant 0 : index
    tpu.barrier barrier_id(%barrier3A)
    %scan3A = arith.constant 0 : i32
    %scan3A_199 = arith.constant 0 : i32
    %scan3A_200 = arith.constant 10 : i32
    %scan3A_201 = arith.addi %scan3A_199, %scan3A_200 : i32
    %scan3A_202 = arith.constant 1 : i32
    scf.for %scan3A_235 = %scan3A_199 to %scan3A_201 step %scan3A_202  : i32 {
      %mul3A_236 = arith.constant 4 : i32
      %mul3A_237 = arith.muli %mul3A_236, %scan3A_235 : i32
      %add3A_238 = arith.constant 0 : i32
      %add3A_239 = arith.addi %mul3A_237, %add3A_238 : i32
      %gt3A = arith.constant 0 : i32
      %gt3A_240 = arith.cmpi sgt, %scan3A_235, %gt3A : i32
      %convert_element_type3A = arith.extui %gt3A_240 : i1 to i32
      %cond3A = arith.constant 0 : i32
      %cond3A_241 = arith.cmpi ne, %convert_element_type3A, %cond3A : i32
      scf.if %cond3A_241 {
        %dma_wait3A_288 = arith.constant 0 : i32
        %dma_wait3A_289 = arith.constant 0 : i32
        %dma_wait3A_290 = tpu.memref_slice %arg7[%dma_wait3A_288, %dma_wait3A_289] : memref<40x128xi32, #tpu.memory_space<vmem>> -> memref<1x128xi32, #tpu.memory_space<vmem>>
        %dma_wait3A_291 = tpu.memref_squeeze %dma_wait3A_290 : memref<1x128xi32, #tpu.memory_space<vmem>> -> memref<128xi32, #tpu.memory_space<vmem>>
        %dma_wait3A_292 = arith.constant 0 : i32
        %dma_wait3A_293 = tpu.memref_slice %arg4[%dma_wait3A_292] : memref<10240xf32, #tpu.memory_space<vmem_shared>> -> memref<10240xf32, #tpu.memory_space<vmem_shared>>
        tpu.wait_indirect_dma semaphore(%arg8 : memref<!tpu.dma_semaphore, #tpu.memory_space<semaphore_mem>>) src(%arg6 : memref<128xf32, #tpu.memory_space<vmem>>) dst(%dma_wait3A_293 : memref<10240xf32, #tpu.memory_space<vmem_shared>>)
      } else {
      }
      %dma_start3A = arith.constant 0 : i32
      %dma_start3A_242 = tpu.memref_slice %arg7[%add3A_239, %dma_start3A] : memref<40x128xi32, #tpu.memory_space<vmem>> -> memref<1x128xi32, #tpu.memory_space<vmem>>
      %dma_start3A_243 = tpu.memref_squeeze %dma_start3A_242 : memref<1x128xi32, #tpu.memory_space<vmem>> -> memref<128xi32, #tpu.memory_space<vmem>>
      %dma_start3A_244 = arith.constant 0 : i32
      %dma_start3A_245 = tpu.memref_slice %arg4[%dma_start3A_244] : memref<10240xf32, #tpu.memory_space<vmem_shared>> -> memref<10240xf32, #tpu.memory_space<vmem_shared>>
      tpu.enqueue_indirect_dma source(%arg6 : memref<128xf32, #tpu.memory_space<vmem>>) target(%dma_start3A_245 : memref<10240xf32, #tpu.memory_space<vmem_shared>>) offsets(%dma_start3A_243 : memref<128xi32, #tpu.memory_space<vmem>>) semaphore(%arg8 : memref<!tpu.dma_semaphore, #tpu.memory_space<semaphore_mem>>) {add = true}
      %mul3A_246 = arith.constant 4 : i32
      %mul3A_247 = arith.muli %mul3A_246, %scan3A_235 : i32
      %add3A_248 = arith.constant 1 : i32
      %add3A_249 = arith.addi %mul3A_247, %add3A_248 : i32
      %gt3A_250 = arith.constant 0 : i32
      %gt3A_251 = arith.cmpi sgt, %scan3A_235, %gt3A_250 : i32
      %convert_element_type3A_252 = arith.extui %gt3A_251 : i1 to i32
      %cond3A_253 = arith.constant 0 : i32
      %cond3A_254 = arith.cmpi ne, %convert_element_type3A_252, %cond3A_253 : i32
      scf.if %cond3A_254 {
        %dma_wait3A_288 = arith.constant 0 : i32
        %dma_wait3A_289 = arith.constant 0 : i32
        %dma_wait3A_290 = tpu.memref_slice %arg7[%dma_wait3A_288, %dma_wait3A_289] : memref<40x128xi32, #tpu.memory_space<vmem>> -> memref<1x128xi32, #tpu.memory_space<vmem>>
        %dma_wait3A_291 = tpu.memref_squeeze %dma_wait3A_290 : memref<1x128xi32, #tpu.memory_space<vmem>> -> memref<128xi32, #tpu.memory_space<vmem>>
        %dma_wait3A_292 = arith.constant 0 : i32
        %dma_wait3A_293 = tpu.memref_slice %arg4[%dma_wait3A_292] : memref<10240xf32, #tpu.memory_space<vmem_shared>> -> memref<10240xf32, #tpu.memory_space<vmem_shared>>
        tpu.wait_indirect_dma semaphore(%arg9 : memref<!tpu.dma_semaphore, #tpu.memory_space<semaphore_mem>>) src(%arg6 : memref<128xf32, #tpu.memory_space<vmem>>) dst(%dma_wait3A_293 : memref<10240xf32, #tpu.memory_space<vmem_shared>>)
      } else {
      }
      %dma_start3A_255 = arith.constant 0 : i32
      %dma_start3A_256 = tpu.memref_slice %arg7[%add3A_249, %dma_start3A_255] : memref<40x128xi32, #tpu.memory_space<vmem>> -> memref<1x128xi32, #tpu.memory_space<vmem>>
      %dma_start3A_257 = tpu.memref_squeeze %dma_start3A_256 : memref<1x128xi32, #tpu.memory_space<vmem>> -> memref<128xi32, #tpu.memory_space<vmem>>
      %dma_start3A_258 = arith.constant 0 : i32
      %dma_start3A_259 = tpu.memref_slice %arg4[%dma_start3A_258] : memref<10240xf32, #tpu.memory_space<vmem_shared>> -> memref<10240xf32, #tpu.memory_space<vmem_shared>>
      tpu.enqueue_indirect_dma source(%arg6 : memref<128xf32, #tpu.memory_space<vmem>>) target(%dma_start3A_259 : memref<10240xf32, #tpu.memory_space<vmem_shared>>) offsets(%dma_start3A_257 : memref<128xi32, #tpu.memory_space<vmem>>) semaphore(%arg9 : memref<!tpu.dma_semaphore, #tpu.memory_space<semaphore_mem>>) {add = true}
      %mul3A_260 = arith.constant 4 : i32
      %mul3A_261 = arith.muli %mul3A_260, %scan3A_235 : i32
      %add3A_262 = arith.constant 2 : i32
      %add3A_263 = arith.addi %mul3A_261, %add3A_262 : i32
      %gt3A_264 = arith.constant 0 : i32
      %gt3A_265 = arith.cmpi sgt, %scan3A_235, %gt3A_264 : i32
      %convert_element_type3A_266 = arith.extui %gt3A_265 : i1 to i32
      %cond3A_267 = arith.constant 0 : i32
      %cond3A_268 = arith.cmpi ne, %convert_element_type3A_266, %cond3A_267 : i32
      scf.if %cond3A_268 {
        %dma_wait3A_288 = arith.constant 0 : i32
        %dma_wait3A_289 = arith.constant 0 : i32
        %dma_wait3A_290 = tpu.memref_slice %arg7[%dma_wait3A_288, %dma_wait3A_289] : memref<40x128xi32, #tpu.memory_space<vmem>> -> memref<1x128xi32, #tpu.memory_space<vmem>>
        %dma_wait3A_291 = tpu.memref_squeeze %dma_wait3A_290 : memref<1x128xi32, #tpu.memory_space<vmem>> -> memref<128xi32, #tpu.memory_space<vmem>>
        %dma_wait3A_292 = arith.constant 0 : i32
        %dma_wait3A_293 = tpu.memref_slice %arg4[%dma_wait3A_292] : memref<10240xf32, #tpu.memory_space<vmem_shared>> -> memref<10240xf32, #tpu.memory_space<vmem_shared>>
        tpu.wait_indirect_dma semaphore(%arg10 : memref<!tpu.dma_semaphore, #tpu.memory_space<semaphore_mem>>) src(%arg6 : memref<128xf32, #tpu.memory_space<vmem>>) dst(%dma_wait3A_293 : memref<10240xf32, #tpu.memory_space<vmem_shared>>)
      } else {
      }
      %dma_start3A_269 = arith.constant 0 : i32
      %dma_start3A_270 = tpu.memref_slice %arg7[%add3A_263, %dma_start3A_269] : memref<40x128xi32, #tpu.memory_space<vmem>> -> memref<1x128xi32, #tpu.memory_space<vmem>>
      %dma_start3A_271 = tpu.memref_squeeze %dma_start3A_270 : memref<1x128xi32, #tpu.memory_space<vmem>> -> memref<128xi32, #tpu.memory_space<vmem>>
      %dma_start3A_272 = arith.constant 0 : i32
      %dma_start3A_273 = tpu.memref_slice %arg4[%dma_start3A_272] : memref<10240xf32, #tpu.memory_space<vmem_shared>> -> memref<10240xf32, #tpu.memory_space<vmem_shared>>
      tpu.enqueue_indirect_dma source(%arg6 : memref<128xf32, #tpu.memory_space<vmem>>) target(%dma_start3A_273 : memref<10240xf32, #tpu.memory_space<vmem_shared>>) offsets(%dma_start3A_271 : memref<128xi32, #tpu.memory_space<vmem>>) semaphore(%arg10 : memref<!tpu.dma_semaphore, #tpu.memory_space<semaphore_mem>>) {add = true}
      %mul3A_274 = arith.constant 4 : i32
      %mul3A_275 = arith.muli %mul3A_274, %scan3A_235 : i32
      %add3A_276 = arith.constant 3 : i32
      %add3A_277 = arith.addi %mul3A_275, %add3A_276 : i32
      %gt3A_278 = arith.constant 0 : i32
      %gt3A_279 = arith.cmpi sgt, %scan3A_235, %gt3A_278 : i32
      %convert_element_type3A_280 = arith.extui %gt3A_279 : i1 to i32
      %cond3A_281 = arith.constant 0 : i32
      %cond3A_282 = arith.cmpi ne, %convert_element_type3A_280, %cond3A_281 : i32
      scf.if %cond3A_282 {
        %dma_wait3A_288 = arith.constant 0 : i32
        %dma_wait3A_289 = arith.constant 0 : i32
        %dma_wait3A_290 = tpu.memref_slice %arg7[%dma_wait3A_288, %dma_wait3A_289] : memref<40x128xi32, #tpu.memory_space<vmem>> -> memref<1x128xi32, #tpu.memory_space<vmem>>
        %dma_wait3A_291 = tpu.memref_squeeze %dma_wait3A_290 : memref<1x128xi32, #tpu.memory_space<vmem>> -> memref<128xi32, #tpu.memory_space<vmem>>
        %dma_wait3A_292 = arith.constant 0 : i32
        %dma_wait3A_293 = tpu.memref_slice %arg4[%dma_wait3A_292] : memref<10240xf32, #tpu.memory_space<vmem_shared>> -> memref<10240xf32, #tpu.memory_space<vmem_shared>>
        tpu.wait_indirect_dma semaphore(%arg11 : memref<!tpu.dma_semaphore, #tpu.memory_space<semaphore_mem>>) src(%arg6 : memref<128xf32, #tpu.memory_space<vmem>>) dst(%dma_wait3A_293 : memref<10240xf32, #tpu.memory_space<vmem_shared>>)
      } else {
      }
      %dma_start3A_283 = arith.constant 0 : i32
      %dma_start3A_284 = tpu.memref_slice %arg7[%add3A_277, %dma_start3A_283] : memref<40x128xi32, #tpu.memory_space<vmem>> -> memref<1x128xi32, #tpu.memory_space<vmem>>
      %dma_start3A_285 = tpu.memref_squeeze %dma_start3A_284 : memref<1x128xi32, #tpu.memory_space<vmem>> -> memref<128xi32, #tpu.memory_space<vmem>>
      %dma_start3A_286 = arith.constant 0 : i32
      %dma_start3A_287 = tpu.memref_slice %arg4[%dma_start3A_286] : memref<10240xf32, #tpu.memory_space<vmem_shared>> -> memref<10240xf32, #tpu.memory_space<vmem_shared>>
      tpu.enqueue_indirect_dma source(%arg6 : memref<128xf32, #tpu.memory_space<vmem>>) target(%dma_start3A_287 : memref<10240xf32, #tpu.memory_space<vmem_shared>>) offsets(%dma_start3A_285 : memref<128xi32, #tpu.memory_space<vmem>>) semaphore(%arg11 : memref<!tpu.dma_semaphore, #tpu.memory_space<semaphore_mem>>) {add = true}
    }
    %scan3A_203 = arith.constant 10 : i32
    %dma_wait3A = arith.constant 0 : i32
    %dma_wait3A_204 = arith.constant 0 : i32
    %dma_wait3A_205 = tpu.memref_slice %arg7[%dma_wait3A, %dma_wait3A_204] : memref<40x128xi32, #tpu.memory_space<vmem>> -> memref<1x128xi32, #tpu.memory_space<vmem>>
    %dma_wait3A_206 = tpu.memref_squeeze %dma_wait3A_205 : memref<1x128xi32, #tpu.memory_space<vmem>> -> memref<128xi32, #tpu.memory_space<vmem>>
    %dma_wait3A_207 = arith.constant 0 : i32
    %dma_wait3A_208 = tpu.memref_slice %arg4[%dma_wait3A_207] : memref<10240xf32, #tpu.memory_space<vmem_shared>> -> memref<10240xf32, #tpu.memory_space<vmem_shared>>
    tpu.wait_indirect_dma semaphore(%arg8 : memref<!tpu.dma_semaphore, #tpu.memory_space<semaphore_mem>>) src(%arg6 : memref<128xf32, #tpu.memory_space<vmem>>) dst(%dma_wait3A_208 : memref<10240xf32, #tpu.memory_space<vmem_shared>>)
    %dma_wait3A_209 = arith.constant 0 : i32
    %dma_wait3A_210 = arith.constant 0 : i32
    %dma_wait3A_211 = tpu.memref_slice %arg7[%dma_wait3A_209, %dma_wait3A_210] : memref<40x128xi32, #tpu.memory_space<vmem>> -> memref<1x128xi32, #tpu.memory_space<vmem>>
    %dma_wait3A_212 = tpu.memref_squeeze %dma_wait3A_211 : memref<1x128xi32, #tpu.memory_space<vmem>> -> memref<128xi32, #tpu.memory_space<vmem>>
    %dma_wait3A_213 = arith.constant 0 : i32
    %dma_wait3A_214 = tpu.memref_slice %arg4[%dma_wait3A_213] : memref<10240xf32, #tpu.memory_space<vmem_shared>> -> memref<10240xf32, #tpu.memory_space<vmem_shared>>
    tpu.wait_indirect_dma semaphore(%arg9 : memref<!tpu.dma_semaphore, #tpu.memory_space<semaphore_mem>>) src(%arg6 : memref<128xf32, #tpu.memory_space<vmem>>) dst(%dma_wait3A_214 : memref<10240xf32, #tpu.memory_space<vmem_shared>>)
    %dma_wait3A_215 = arith.constant 0 : i32
    %dma_wait3A_216 = arith.constant 0 : i32
    %dma_wait3A_217 = tpu.memref_slice %arg7[%dma_wait3A_215, %dma_wait3A_216] : memref<40x128xi32, #tpu.memory_space<vmem>> -> memref<1x128xi32, #tpu.memory_space<vmem>>
    %dma_wait3A_218 = tpu.memref_squeeze %dma_wait3A_217 : memref<1x128xi32, #tpu.memory_space<vmem>> -> memref<128xi32, #tpu.memory_space<vmem>>
    %dma_wait3A_219 = arith.constant 0 : i32
    %dma_wait3A_220 = tpu.memref_slice %arg4[%dma_wait3A_219] : memref<10240xf32, #tpu.memory_space<vmem_shared>> -> memref<10240xf32, #tpu.memory_space<vmem_shared>>
    tpu.wait_indirect_dma semaphore(%arg10 : memref<!tpu.dma_semaphore, #tpu.memory_space<semaphore_mem>>) src(%arg6 : memref<128xf32, #tpu.memory_space<vmem>>) dst(%dma_wait3A_220 : memref<10240xf32, #tpu.memory_space<vmem_shared>>)
    %dma_wait3A_221 = arith.constant 0 : i32
    %dma_wait3A_222 = arith.constant 0 : i32
    %dma_wait3A_223 = tpu.memref_slice %arg7[%dma_wait3A_221, %dma_wait3A_222] : memref<40x128xi32, #tpu.memory_space<vmem>> -> memref<1x128xi32, #tpu.memory_space<vmem>>
    %dma_wait3A_224 = tpu.memref_squeeze %dma_wait3A_223 : memref<1x128xi32, #tpu.memory_space<vmem>> -> memref<128xi32, #tpu.memory_space<vmem>>
    %dma_wait3A_225 = arith.constant 0 : i32
    %dma_wait3A_226 = tpu.memref_slice %arg4[%dma_wait3A_225] : memref<10240xf32, #tpu.memory_space<vmem_shared>> -> memref<10240xf32, #tpu.memory_space<vmem_shared>>
    tpu.wait_indirect_dma semaphore(%arg11 : memref<!tpu.dma_semaphore, #tpu.memory_space<semaphore_mem>>) src(%arg6 : memref<128xf32, #tpu.memory_space<vmem>>) dst(%dma_wait3A_226 : memref<10240xf32, #tpu.memory_space<vmem_shared>>)
    %barrier3A_227 = arith.constant 0 : index
    tpu.barrier barrier_id(%barrier3A_227)
    %mul3A_228 = arith.constant 640 : i32
    %mul3A_229 = arith.muli %arg1, %mul3A_228 : i32
    %mul3A_230 = arith.constant 10240 : i32
    %mul3A_231 = arith.muli %arg0, %mul3A_230 : i32
    %mul3A_232 = arith.constant 640 : i32
    %mul3A_233 = arith.muli %arg1, %mul3A_232 : i32
    %add3A_234 = arith.addi %mul3A_231, %mul3A_233 : i32
    "tpu.region"() ({
      %run_scoped3A = tpu.sem_alloc : memref<!tpu.dma_semaphore, #tpu.memory_space<semaphore_mem>>
      %dma_start3A = tpu.memref_slice %arg3[%add3A_234] : memref<20480xf32, #tpu.memory_space<hbm>> -> memref<640xf32, #tpu.memory_space<hbm>>
      %dma_start3A_235 = tpu.memref_slice %arg4[%mul3A_229] : memref<10240xf32, #tpu.memory_space<vmem_shared>> -> memref<640xf32, #tpu.memory_space<vmem_shared>>
      tpu.enqueue_dma source(%dma_start3A_235 : memref<640xf32, #tpu.memory_space<vmem_shared>>) target(%dma_start3A : memref<640xf32, #tpu.memory_space<hbm>>) target_semaphore(%run_scoped3A : memref<!tpu.dma_semaphore, #tpu.memory_space<semaphore_mem>>)
      %dma_wait3A_236 = tpu.memref_slice %arg3[%add3A_234] : memref<20480xf32, #tpu.memory_space<hbm>> -> memref<640xf32, #tpu.memory_space<hbm>>
      %dma_wait3A_237 = tpu.memref_slice %arg4[%mul3A_229] : memref<10240xf32, #tpu.memory_space<vmem_shared>> -> memref<640xf32, #tpu.memory_space<vmem_shared>>
      tpu.wait_dma2 semaphore(%run_scoped3A : memref<!tpu.dma_semaphore, #tpu.memory_space<semaphore_mem>>) src(%dma_wait3A_237 : memref<640xf32, #tpu.memory_space<vmem_shared>>) dst(%dma_wait3A_236 : memref<640xf32, #tpu.memory_space<hbm>>)
      tpu.yield
    }) : () -> ()
    return
  }
}

module attributes {stable_mosaic.version = 14 : i64} {
  func.func @_mm_scale_body(%arg0: i32, %arg1: memref<1000x256xf32, #tpu.memory_space<vmem>>, %arg2: memref<256x256xf32, #tpu.memory_space<vmem>>, %arg3: memref<1000x2xf32, #tpu.memory_space<vmem>>, %arg4: memref<2x1000x128xf32, #tpu.memory_space<vmem>>) attributes {dimension_semantics = [#tpu.dimension_semantics<arbitrary>], iteration_bounds = array<i64: 10>, scalar_prefetch = 0 : i64, scratch_operands = 0 : i64, tpu.core_type = #tpu.core_type<tc>, window_params = [{transform_indices = @transform_0, window_bounds = array<i64: 1000, 256>}, {pipeline_mode = #tpu.pipeline_mode<synchronous>, transform_indices = @transform_1, window_bounds = array<i64: 256, 256>}, {transform_indices = @transform_2, window_bounds = array<i64: 1000, 2>}, {transform_indices = @transform_3, window_bounds = array<i64: 2, 1000, 128>}]} {
    %get3A = arith.constant 0 : index
    %get3A_0 = arith.constant 0 : index
    %get3A_1 = vector.load %arg3[%get3A, %get3A_0] : memref<1000x2xf32, #tpu.memory_space<vmem>>, vector<1000x2xf32>
    %slice3A = vector.extract_strided_slice %get3A_1 {offsets = [0, 0], sizes = [1000, 1], strides = [1, 1]} : vector<1000x2xf32> to vector<1000x1xf32>
    %slice3A_2 = vector.extract_strided_slice %get3A_1 {offsets = [0, 1], sizes = [1000, 1], strides = [1, 1]} : vector<1000x2xf32> to vector<1000x1xf32>
    %add3A = arith.addf %slice3A, %slice3A_2 : vector<1000x1xf32>
    %add3A_3 = arith.constant 1.000000e+00 : f32
    %add3A_4 = vector.broadcast %add3A_3 : f32 to vector<1000x1xf32>
    %add3A_5 = arith.addf %add3A, %add3A_4 : vector<1000x1xf32>
    %rsqrt3A = math.rsqrt %add3A_5 : vector<1000x1xf32>
    %get3A_6 = arith.constant 0 : index
    %get3A_7 = arith.constant 0 : index
    %get3A_8 = vector.load %arg1[%get3A_6, %get3A_7] : memref<1000x256xf32, #tpu.memory_space<vmem>>, vector<1000x256xf32>
    %get3A_9 = arith.constant 0 : index
    %get3A_10 = arith.constant 0 : index
    %get3A_11 = vector.load %arg2[%get3A_9, %get3A_10] : memref<256x256xf32, #tpu.memory_space<vmem>>, vector<256x256xf32>
    %dot_general3A = arith.constant dense<0.000000e+00> : vector<1000x256xf32>
    %dot_general3A_12 = tpu.matmul %get3A_8, %get3A_11, %dot_general3A {dimension_numbers = #tpu.dot_dimension_numbers<[1], [0], [0], [1], [0, 0, 1, 1], [], []>, transpose_lhs_hint = false} : vector<1000x256xf32>, vector<256x256xf32>, vector<1000x256xf32> -> vector<1000x256xf32>
    %mul3A = vector.broadcast %rsqrt3A : vector<1000x1xf32> to vector<1000x256xf32>
    %mul3A_13 = arith.mulf %dot_general3A_12, %mul3A : vector<1000x256xf32>
    %slice3A_14 = vector.extract_strided_slice %mul3A_13 {offsets = [0, 0], sizes = [1000, 128], strides = [1, 1]} : vector<1000x256xf32> to vector<1000x128xf32>
    %swap3A = arith.constant 0 : index
    %swap3A_15 = arith.constant 0 : index
    %swap3A_16 = arith.constant 0 : index
    %swap3A_17 = vector.load %arg4[%swap3A, %swap3A_15, %swap3A_16] : memref<2x1000x128xf32, #tpu.memory_space<vmem>>, vector<1x1000x128xf32>
    %swap3A_18 = vector.shape_cast %swap3A_17 : vector<1x1000x128xf32> to vector<1000x128xf32>
    %swap3A_19 = vector.shape_cast %slice3A_14 : vector<1000x128xf32> to vector<1x1000x128xf32>
    tpu.vector_store %arg4[%swap3A, %swap3A_15, %swap3A_16], %swap3A_19 {strides = array<i32>} : memref<2x1000x128xf32, #tpu.memory_space<vmem>>, vector<1x1000x128xf32>,
    %slice3A_20 = vector.extract_strided_slice %mul3A_13 {offsets = [0, 128], sizes = [1000, 128], strides = [1, 1]} : vector<1000x256xf32> to vector<1000x128xf32>
    %swap3A_21 = arith.constant 1 : index
    %swap3A_22 = arith.constant 0 : index
    %swap3A_23 = arith.constant 0 : index
    %swap3A_24 = vector.load %arg4[%swap3A_21, %swap3A_22, %swap3A_23] : memref<2x1000x128xf32, #tpu.memory_space<vmem>>, vector<1x1000x128xf32>
    %swap3A_25 = vector.shape_cast %swap3A_24 : vector<1x1000x128xf32> to vector<1000x128xf32>
    %swap3A_26 = vector.shape_cast %slice3A_20 : vector<1000x128xf32> to vector<1x1000x128xf32>
    tpu.vector_store %arg4[%swap3A_21, %swap3A_22, %swap3A_23], %swap3A_26 {strides = array<i32>} : memref<2x1000x128xf32, #tpu.memory_space<vmem>>, vector<1x1000x128xf32>,
    return
  }
  func.func @transform_0(%arg0: i32) -> (i32, i32) {
    %c0_i32 = arith.constant 0 : i32
    %c0_i32_0 = arith.constant 0 : i32
    return %arg0, %c0_i32 : i32, i32
  }
  func.func @transform_1(%arg0: i32) -> (i32, i32) {
    %c0_i32 = arith.constant 0 : i32
    %c0_i32_0 = arith.constant 0 : i32
    %c0_i32_1 = arith.constant 0 : i32
    return %c0_i32, %c0_i32_0 : i32, i32
  }
  func.func @transform_2(%arg0: i32) -> (i32, i32) {
    %c0_i32 = arith.constant 0 : i32
    %c0_i32_0 = arith.constant 0 : i32
    return %arg0, %c0_i32 : i32, i32
  }
  func.func @transform_3(%arg0: i32) -> (i32, i32, i32) {
    %c0_i32 = arith.constant 0 : i32
    %c0_i32_0 = arith.constant 0 : i32
    %c0_i32_1 = arith.constant 0 : i32
    return %c0_i32, %arg0, %c0_i32_0 : i32, i32, i32
  }
}

module attributes {stable_mosaic.version = 14 : i64} {
  func.func @_epi_body(%arg0: i32, %arg1: memref<2x1000x128xf32, #tpu.memory_space<vmem>>, %arg2: memref<1000x2xf32, #tpu.memory_space<vmem>>, %arg3: memref<1x256xf32, #tpu.memory_space<vmem>>, %arg4: memref<1x256xf32, #tpu.memory_space<vmem>>, %arg5: memref<1x256xf32, #tpu.memory_space<vmem>>, %arg6: memref<256x40xf32, #tpu.memory_space<vmem>>, %arg7: memref<1x40xf32, #tpu.memory_space<vmem>>, %arg8: memref<1000x40xf32, #tpu.memory_space<vmem>>) attributes {dimension_semantics = [#tpu.dimension_semantics<arbitrary>], iteration_bounds = array<i64: 10>, scalar_prefetch = 0 : i64, scratch_operands = 0 : i64, tpu.core_type = #tpu.core_type<tc>, window_params = [{transform_indices = @transform_0, window_bounds = array<i64: 2, 1000, 128>}, {transform_indices = @transform_1, window_bounds = array<i64: 1000, 2>}, {pipeline_mode = #tpu.pipeline_mode<synchronous>, transform_indices = @transform_2, window_bounds = array<i64: 1, 256>}, {pipeline_mode = #tpu.pipeline_mode<synchronous>, transform_indices = @transform_3, window_bounds = array<i64: 1, 256>}, {pipeline_mode = #tpu.pipeline_mode<synchronous>, transform_indices = @transform_4, window_bounds = array<i64: 1, 256>}, {pipeline_mode = #tpu.pipeline_mode<synchronous>, transform_indices = @transform_5, window_bounds = array<i64: 256, 40>}, {pipeline_mode = #tpu.pipeline_mode<synchronous>, transform_indices = @transform_6, window_bounds = array<i64: 1, 40>}, {transform_indices = @transform_7, window_bounds = array<i64: 1000, 40>}]} {
    %get3A = arith.constant 0 : index
    %get3A_0 = arith.constant 0 : index
    %get3A_1 = vector.load %arg2[%get3A, %get3A_0] : memref<1000x2xf32, #tpu.memory_space<vmem>>, vector<1000x2xf32>
    %slice3A = vector.extract_strided_slice %get3A_1 {offsets = [0, 0], sizes = [1000, 1], strides = [1, 1]} : vector<1000x2xf32> to vector<1000x1xf32>
    %slice3A_2 = vector.extract_strided_slice %get3A_1 {offsets = [0, 1], sizes = [1000, 1], strides = [1, 1]} : vector<1000x2xf32> to vector<1000x1xf32>
    %add3A = arith.addf %slice3A, %slice3A_2 : vector<1000x1xf32>
    %add3A_3 = arith.constant 1.000000e+00 : f32
    %add3A_4 = vector.broadcast %add3A_3 : f32 to vector<1000x1xf32>
    %add3A_5 = arith.addf %add3A, %add3A_4 : vector<1000x1xf32>
    %rsqrt3A = math.rsqrt %add3A_5 : vector<1000x1xf32>
    %get3A_6 = arith.constant 0 : index
    %get3A_7 = arith.constant 0 : index
    %get3A_8 = arith.constant 0 : index
    %get3A_9 = vector.load %arg1[%get3A_6, %get3A_7, %get3A_8] : memref<2x1000x128xf32, #tpu.memory_space<vmem>>, vector<1x1000x128xf32>
    %get3A_10 = vector.shape_cast %get3A_9 : vector<1x1000x128xf32> to vector<1000x128xf32>
    %mul3A = vector.broadcast %rsqrt3A : vector<1000x1xf32> to vector<1000x128xf32>
    %mul3A_11 = arith.mulf %get3A_10, %mul3A : vector<1000x128xf32>
    %get3A_12 = arith.constant 0 : index
    %get3A_13 = arith.constant 0 : index
    %get3A_14 = vector.load %arg3[%get3A_12, %get3A_13] : memref<1x256xf32, #tpu.memory_space<vmem>>, vector<1x128xf32>
    %add3A_15 = vector.broadcast %get3A_14 : vector<1x128xf32> to vector<1000x128xf32>
    %add3A_16 = arith.addf %mul3A_11, %add3A_15 : vector<1000x128xf32>
    %max3A = arith.constant 0.000000e+00 : f32
    %max3A_17 = vector.broadcast %max3A : f32 to vector<1000x128xf32>
    %max3A_18 = arith.maximumf %add3A_16, %max3A_17 : vector<1000x128xf32>
    %get3A_19 = arith.constant 1 : index
    %get3A_20 = arith.constant 0 : index
    %get3A_21 = arith.constant 0 : index
    %get3A_22 = vector.load %arg1[%get3A_19, %get3A_20, %get3A_21] : memref<2x1000x128xf32, #tpu.memory_space<vmem>>, vector<1x1000x128xf32>
    %get3A_23 = vector.shape_cast %get3A_22 : vector<1x1000x128xf32> to vector<1000x128xf32>
    %mul3A_24 = vector.broadcast %rsqrt3A : vector<1000x1xf32> to vector<1000x128xf32>
    %mul3A_25 = arith.mulf %get3A_23, %mul3A_24 : vector<1000x128xf32>
    %get3A_26 = arith.constant 0 : index
    %get3A_27 = arith.constant 128 : index
    %get3A_28 = vector.load %arg3[%get3A_26, %get3A_27] : memref<1x256xf32, #tpu.memory_space<vmem>>, vector<1x128xf32>
    %add3A_29 = vector.broadcast %get3A_28 : vector<1x128xf32> to vector<1000x128xf32>
    %add3A_30 = arith.addf %mul3A_25, %add3A_29 : vector<1000x128xf32>
    %max3A_31 = arith.constant 0.000000e+00 : f32
    %max3A_32 = vector.broadcast %max3A_31 : f32 to vector<1000x128xf32>
    %max3A_33 = arith.maximumf %add3A_30, %max3A_32 : vector<1000x128xf32>
    %reduce_sum3A = arith.constant dense<0.000000e+00> : vector<1000xf32>
    %reduce_sum3A_34 = vector.multi_reduction <add>, %max3A_18, %reduce_sum3A [1] : vector<1000x128xf32> to vector<1000xf32>
    %broadcast_in_dim3A = vector.shape_cast %reduce_sum3A_34 : vector<1000xf32> to vector<1000x1xf32>
    %reduce_sum3A_35 = arith.constant dense<0.000000e+00> : vector<1000xf32>
    %reduce_sum3A_36 = vector.multi_reduction <add>, %max3A_33, %reduce_sum3A_35 [1] : vector<1000x128xf32> to vector<1000xf32>
    %broadcast_in_dim3A_37 = vector.shape_cast %reduce_sum3A_36 : vector<1000xf32> to vector<1000x1xf32>
    %add3A_38 = arith.addf %broadcast_in_dim3A, %broadcast_in_dim3A_37 : vector<1000x1xf32>
    %mul3A_39 = arith.constant 3.906250e-03 : f32
    %mul3A_40 = vector.broadcast %mul3A_39 : f32 to vector<1000x1xf32>
    %mul3A_41 = arith.mulf %add3A_38, %mul3A_40 : vector<1000x1xf32>
    %sub3A = vector.broadcast %mul3A_41 : vector<1000x1xf32> to vector<1000x128xf32>
    %sub3A_42 = arith.subf %max3A_18, %sub3A : vector<1000x128xf32>
    %sub3A_43 = vector.broadcast %mul3A_41 : vector<1000x1xf32> to vector<1000x128xf32>
    %sub3A_44 = arith.subf %max3A_33, %sub3A_43 : vector<1000x128xf32>
    %mul3A_45 = arith.mulf %sub3A_42, %sub3A_42 : vector<1000x128xf32>
    %reduce_sum3A_46 = arith.constant dense<0.000000e+00> : vector<1000xf32>
    %reduce_sum3A_47 = vector.multi_reduction <add>, %mul3A_45, %reduce_sum3A_46 [1] : vector<1000x128xf32> to vector<1000xf32>
    %broadcast_in_dim3A_48 = vector.shape_cast %reduce_sum3A_47 : vector<1000xf32> to vector<1000x1xf32>
    %mul3A_49 = arith.mulf %sub3A_44, %sub3A_44 : vector<1000x128xf32>
    %reduce_sum3A_50 = arith.constant dense<0.000000e+00> : vector<1000xf32>
    %reduce_sum3A_51 = vector.multi_reduction <add>, %mul3A_49, %reduce_sum3A_50 [1] : vector<1000x128xf32> to vector<1000xf32>
    %broadcast_in_dim3A_52 = vector.shape_cast %reduce_sum3A_51 : vector<1000xf32> to vector<1000x1xf32>
    %add3A_53 = arith.addf %broadcast_in_dim3A_48, %broadcast_in_dim3A_52 : vector<1000x1xf32>
    %mul3A_54 = arith.constant 3.906250e-03 : f32
    %mul3A_55 = vector.broadcast %mul3A_54 : f32 to vector<1000x1xf32>
    %mul3A_56 = arith.mulf %add3A_53, %mul3A_55 : vector<1000x1xf32>
    %add3A_57 = arith.constant 9.99999974E-6 : f32
    %add3A_58 = vector.broadcast %add3A_57 : f32 to vector<1000x1xf32>
    %add3A_59 = arith.addf %mul3A_56, %add3A_58 : vector<1000x1xf32>
    %rsqrt3A_60 = math.rsqrt %add3A_59 : vector<1000x1xf32>
    %mul3A_61 = vector.broadcast %rsqrt3A_60 : vector<1000x1xf32> to vector<1000x128xf32>
    %mul3A_62 = arith.mulf %sub3A_42, %mul3A_61 : vector<1000x128xf32>
    %get3A_63 = arith.constant 0 : index
    %get3A_64 = arith.constant 0 : index
    %get3A_65 = vector.load %arg4[%get3A_63, %get3A_64] : memref<1x256xf32, #tpu.memory_space<vmem>>, vector<1x128xf32>
    %mul3A_66 = vector.broadcast %get3A_65 : vector<1x128xf32> to vector<1000x128xf32>
    %mul3A_67 = arith.mulf %mul3A_62, %mul3A_66 : vector<1000x128xf32>
    %get3A_68 = arith.constant 0 : index
    %get3A_69 = arith.constant 0 : index
    %get3A_70 = vector.load %arg5[%get3A_68, %get3A_69] : memref<1x256xf32, #tpu.memory_space<vmem>>, vector<1x128xf32>
    %add3A_71 = vector.broadcast %get3A_70 : vector<1x128xf32> to vector<1000x128xf32>
    %add3A_72 = arith.addf %mul3A_67, %add3A_71 : vector<1000x128xf32>
    %mul3A_73 = vector.broadcast %rsqrt3A_60 : vector<1000x1xf32> to vector<1000x128xf32>
    %mul3A_74 = arith.mulf %sub3A_44, %mul3A_73 : vector<1000x128xf32>
    %get3A_75 = arith.constant 0 : index
    %get3A_76 = arith.constant 128 : index
    %get3A_77 = vector.load %arg4[%get3A_75, %get3A_76] : memref<1x256xf32, #tpu.memory_space<vmem>>, vector<1x128xf32>
    %mul3A_78 = vector.broadcast %get3A_77 : vector<1x128xf32> to vector<1000x128xf32>
    %mul3A_79 = arith.mulf %mul3A_74, %mul3A_78 : vector<1000x128xf32>
    %get3A_80 = arith.constant 0 : index
    %get3A_81 = arith.constant 128 : index
    %get3A_82 = vector.load %arg5[%get3A_80, %get3A_81] : memref<1x256xf32, #tpu.memory_space<vmem>>, vector<1x128xf32>
    %add3A_83 = vector.broadcast %get3A_82 : vector<1x128xf32> to vector<1000x128xf32>
    %add3A_84 = arith.addf %mul3A_79, %add3A_83 : vector<1000x128xf32>
    %get3A_85 = arith.constant 0 : index
    %get3A_86 = arith.constant 0 : index
    %get3A_87 = vector.load %arg6[%get3A_85, %get3A_86] : memref<256x40xf32, #tpu.memory_space<vmem>>, vector<128x40xf32>
    %dot_general3A = arith.constant dense<0.000000e+00> : vector<1000x40xf32>
    %dot_general3A_88 = tpu.matmul %add3A_72, %get3A_87, %dot_general3A {dimension_numbers = #tpu.dot_dimension_numbers<[1], [0], [0], [1], [0, 0, 1, 1], [], []>, transpose_lhs_hint = false} : vector<1000x128xf32>, vector<128x40xf32>, vector<1000x40xf32> -> vector<1000x40xf32>
    %get3A_89 = arith.constant 128 : index
    %get3A_90 = arith.constant 0 : index
    %get3A_91 = vector.load %arg6[%get3A_89, %get3A_90] : memref<256x40xf32, #tpu.memory_space<vmem>>, vector<128x40xf32>
    %dot_general3A_92 = arith.constant dense<0.000000e+00> : vector<1000x40xf32>
    %dot_general3A_93 = tpu.matmul %add3A_84, %get3A_91, %dot_general3A_92 {dimension_numbers = #tpu.dot_dimension_numbers<[1], [0], [0], [1], [0, 0, 1, 1], [], []>, transpose_lhs_hint = false} : vector<1000x128xf32>, vector<128x40xf32>, vector<1000x40xf32> -> vector<1000x40xf32>
    %add3A_94 = arith.addf %dot_general3A_88, %dot_general3A_93 : vector<1000x40xf32>
    %get3A_95 = arith.constant 0 : index
    %get3A_96 = arith.constant 0 : index
    %get3A_97 = vector.load %arg7[%get3A_95, %get3A_96] : memref<1x40xf32, #tpu.memory_space<vmem>>, vector<1x40xf32>
    %add3A_98 = vector.broadcast %get3A_97 : vector<1x40xf32> to vector<1000x40xf32>
    %add3A_99 = arith.addf %add3A_94, %add3A_98 : vector<1000x40xf32>
    %swap3A = arith.constant 0 : index
    %swap3A_100 = arith.constant 0 : index
    %swap3A_101 = vector.load %arg8[%swap3A, %swap3A_100] : memref<1000x40xf32, #tpu.memory_space<vmem>>, vector<1000x40xf32>
    tpu.vector_store %arg8[%swap3A, %swap3A_100], %add3A_99 {strides = array<i32>} : memref<1000x40xf32, #tpu.memory_space<vmem>>, vector<1000x40xf32>,
    return
  }
  func.func @transform_0(%arg0: i32) -> (i32, i32, i32) {
    %c0_i32 = arith.constant 0 : i32
    %c0_i32_0 = arith.constant 0 : i32
    %c0_i32_1 = arith.constant 0 : i32
    return %c0_i32, %arg0, %c0_i32_0 : i32, i32, i32
  }
  func.func @transform_1(%arg0: i32) -> (i32, i32) {
    %c0_i32 = arith.constant 0 : i32
    %c0_i32_0 = arith.constant 0 : i32
    return %arg0, %c0_i32 : i32, i32
  }
  func.func @transform_2(%arg0: i32) -> (i32, i32) {
    %c0_i32 = arith.constant 0 : i32
    %c0_i32_0 = arith.constant 0 : i32
    %c0_i32_1 = arith.constant 0 : i32
    return %c0_i32, %c0_i32_0 : i32, i32
  }
  func.func @transform_3(%arg0: i32) -> (i32, i32) {
    %c0_i32 = arith.constant 0 : i32
    %c0_i32_0 = arith.constant 0 : i32
    %c0_i32_1 = arith.constant 0 : i32
    return %c0_i32, %c0_i32_0 : i32, i32
  }
  func.func @transform_4(%arg0: i32) -> (i32, i32) {
    %c0_i32 = arith.constant 0 : i32
    %c0_i32_0 = arith.constant 0 : i32
    %c0_i32_1 = arith.constant 0 : i32
    return %c0_i32, %c0_i32_0 : i32, i32
  }
  func.func @transform_5(%arg0: i32) -> (i32, i32) {
    %c0_i32 = arith.constant 0 : i32
    %c0_i32_0 = arith.constant 0 : i32
    %c0_i32_1 = arith.constant 0 : i32
    return %c0_i32, %c0_i32_0 : i32, i32
  }
  func.func @transform_6(%arg0: i32) -> (i32, i32) {
    %c0_i32 = arith.constant 0 : i32
    %c0_i32_0 = arith.constant 0 : i32
    %c0_i32_1 = arith.constant 0 : i32
    return %c0_i32, %c0_i32_0 : i32, i32
  }
  func.func @transform_7(%arg0: i32) -> (i32, i32) {
    %c0_i32 = arith.constant 0 : i32
    %c0_i32_0 = arith.constant 0 : i32
    return %arg0, %c0_i32 : i32, i32
  }
}

</mosaic_0001>

<sc_bundles>
// kernel: kernel.6.cloned.1.call-start
scs
__scs_entry_jumppad:
0x0: {  	(pc) =	sbr.rel $0x88, $3  }
0x1: {  	(tag) =	ssettag $0x0;
	lr =	simm.s32 $0x1  }
0x2: {  	[smem:$0x3F99] =	sst lr;
	_ =	strace $0xD0000000  }
0x3: {  	_ = 	snop  }
0x4: {  	_ = 	snop  }
0x5: {  	_ = 	snop  }
0x6: {  	_ = 	snop  }
0x7: {  	_ = 	snop  }
__scs_overlays_trampoline_lowered:
0x8: {  	[smem:$0x3FA8] =	sst s0  }
0x9: {  	[smem:$0x3FA9] =	sst s1  }
0xa: {  	[smem:$0x3FAA] =	sst s2  }
0xb: {  	[smem:$0x3FAB] =	sst s3  }
0xc: {  	[smem:$0x3FAC] =	sst s4  }
0xd: {  	[smem:$0x3FAD] =	sst s5  }
0xe: {  	[smem:$0x3FAE] =	sst s6  }
0xf: {  	[smem:$0x3FAF] =	sst s7  }
0x10: {  	[smem:$0x3FB0] =	sst s8  }
0x11: {  	[smem:$0x3FB1] =	sst s9;
	s0 =	simm.s32 @!p0 $0x0  }
0x12: {  	s1 =	sld [smem:$0x3F97];
	s0 =	simm.s32 @p0 $0x1  }
0x13: {  	[smem:$0x3FB2] =	sst s0;
	s0 =	simm.s32 @!p1 $0x0  }
0x14: {  	s2 =	sld [smem:$0x3F96];
	s0 =	simm.s32 @p1 $0x1  }
0x15: {  	[smem:$0x3FB3] =	sst s0;
	s0 =	simm.s32 @!p2 $0x0  }
0x16: {  	s3 =	sld [smem:$0x3FDB];
	s0 =	simm.s32 @p2 $0x1  }
0x17: {  	s4 =	simm.s32 $0x1BF5;
	[smem:$0x3FB5] =	sst s0  }
0x18: {  	s0 =	sld [smem:$0x3F98];
	_ =	swait.ge [sflag:s4], $0x0  }
0x19: {  	s7 =	sld [smem:$0x3F99]  }
0x1a: {  	s8 =	sadd.s32 $0xFFFFE003, lr  }
0x1b: {  	s9 =	sadd.s32 $0xFFFFFEF7, lr;
	s5 =	simm.s32 $0xFFFFFFFF;
	p2 =	slt.u32 s8, $0xFFFFF086  }
0x1c: {  	p1 =	slt.u32 s9, $0xF7A;
	s5 =	simm.s32 @!p2 $0x0  }
0x1d: {  	s5 =	simm.s32 @p1 $0x1;
	p0 =	seq.s32 s7, s2  }
0x1e: {  	s7 =	smul.u32 @!p0 $0xF7A, s2;
	p2 =	seq.s32 @!p0 s5, $0x0  }
0x1f: {  	s9 =	smul.u32 $0xF7A, s1;
	s8 =	simm.s32 @!p0 $0x1BF5;
	p2 =	por !p2, p0  }
0x20: {  	[sflag:s8] =	ssyncset.s32 @!p0 $0xFFFFF086;
	s6 =	sadd.s32 @!p0 s3, s7;
	s7 =	simm.s32 @!p0 $0x108  }
0x21: {  	s3 =	sadd.s32 s3, s9;
	s6 =	sadd.s32 @!p0 $0x88, s6;
	s7 =	simm.s32 @p2 $0x1082  }
0x22: {  	[simem:s7], [sflag:s8] =	dma.local @!p0 [hbm:s6], $0xF7A  }
0x23: {  	s9 =	sor.u32 $0xD0000000, s2;
	s6 =	simm.s32 $0x108;
	_ =	swait.ge @!p0 [sflag:s8], $0x0  }
0x24: {  	s3 =	sadd.s32 $0x88, s3;
	s6 =	simm.s32 @!p1 $0x1082;
	[sflag:s4] =	ssyncset.s32 $0xFFFFF086  }
0x25: {  	[simem:s6], [sflag:s4] =	dma.local [hbm:s3], $0xF7A  }
0x26: {  	[smem:$0x3F99] =	sst s1;
	(tag) =	ssettag s2;
	_ =	strace s9  }
0x27: {  	s1 =	sld [smem:$0x3FA9]  }
0x28: {  	s2 =	sld [smem:$0x3FAA]  }
0x29: {  	s4 =	sld [smem:$0x3FAC]  }
0x2a: {  	p0 =	seq.s32 s5, $0x0;
	s5 =	sld [smem:$0x3FAD]  }
0x2b: {  	s6 =	sld [smem:$0x3FAE]  }
0x2c: {  	s7 =	sld [smem:$0x3FAF]  }
0x2d: {  	s3 =	simm.s32 $0x108;
	s8 =	sld [smem:$0x3FB0]  }
0x2e: {  	s3 =	simm.s32 @!p0 $0x1082;
	s9 =	sld [smem:$0x3FB1]  }
0x2f: {  	lr =	sadd.s32 s0, s3;
	s0 =	sld [smem:$0x3FA8]  }
0x30: {  	s3 =	sld [smem:$0x3FAB]  }
0x31: {  	[smem:$0x3FB4] =	sst s10  }
0x32: {  	s10 =	sld [smem:$0x3FB2];
	_ =	sdelay $0x3  }
0x33: {  	p0 =	seq.s32 s10, $0x1;
	s10 =	sld [smem:$0x3FB4];
	_ =	sdelay $0x3  }
0x34: {  	[smem:$0x3FB4] =	sst s10  }
0x35: {  	s10 =	sld [smem:$0x3FB3];
	_ =	sdelay $0x3  }
0x36: {  	p1 =	seq.s32 s10, $0x1;
	s10 =	sld [smem:$0x3FB4];
	_ =	sdelay $0x3  }
0x37: {  	[smem:$0x3FB4] =	sst s10  }
0x38: {  	s10 =	sld [smem:$0x3FB5]  }
0x39: {  	_ = 	snop;
	(pc) =	sbr.ind lr, $3  }
0x3a: {  	_ = 	snop  }
0x3b: {  	_ = 	snop  }
0x3c: {  	p2 =	seq.s32 s10, $0x1;
	s10 =	sld [smem:$0x3FB4]  }
0x3d: {  	_ =	shalt  }
0x3e: {  	_ =	shalt  }
0x3f: {  	_ =	shalt  }
0x40: {  	_ =	shalt  }
0x41: {  	_ =	shalt  }
0x42: {  	_ =	shalt  }
0x43: {  	_ =	shalt  }
0x44: {  	_ =	shalt  }
0x45: {  	_ =	shalt  }
0x46: {  	_ =	shalt  }
0x47: {  	_ =	shalt  }
0x48: {  	_ =	shalt  }
0x49: {  	_ =	shalt  }
0x4a: {  	_ =	shalt  }
0x4b: {  	_ =	shalt  }
0x4c: {  	_ =	shalt  }
0x4d: {  	_ =	shalt  }
0x4e: {  	_ =	shalt  }
0x4f: {  	_ =	shalt  }
0x50: {  	_ =	shalt  }
0x51: {  	_ =	shalt  }
0x52: {  	_ =	shalt  }
0x53: {  	_ =	shalt  }
0x54: {  	_ =	shalt  }
0x55: {  	_ =	shalt  }
0x56: {  	_ =	shalt  }
0x57: {  	_ =	shalt  }
0x58: {  	_ =	shalt  }
0x59: {  	_ =	shalt  }
0x5a: {  	_ =	shalt  }
0x5b: {  	_ =	shalt  }
0x5c: {  	_ =	shalt  }
0x5d: {  	_ =	shalt  }
0x5e: {  	_ =	shalt  }
0x5f: {  	_ =	shalt  }
0x60: {  	_ =	shalt  }
0x61: {  	_ =	shalt  }
0x62: {  	_ =	shalt  }
0x63: {  	_ =	shalt  }
0x64: {  	_ =	shalt  }
0x65: {  	_ =	shalt  }
0x66: {  	_ =	shalt  }
0x67: {  	_ =	shalt  }
0x68: {  	_ =	shalt  }
0x69: {  	_ =	shalt  }
0x6a: {  	_ =	shalt  }
0x6b: {  	_ =	shalt  }
0x6c: {  	_ =	shalt  }
0x6d: {  	_ =	shalt  }
0x6e: {  	_ =	shalt  }
0x6f: {  	_ =	shalt  }
0x70: {  	_ =	shalt  }
0x71: {  	_ =	shalt  }
0x72: {  	_ =	shalt  }
0x73: {  	_ =	shalt  }
0x74: {  	_ =	shalt  }
0x75: {  	_ =	shalt  }
0x76: {  	_ =	shalt  }
0x77: {  	_ =	shalt  }
0x78: {  	_ =	shalt  }
0x79: {  	_ =	shalt  }
0x7a: {  	_ =	shalt  }
0x7b: {  	_ =	shalt  }
0x7c: {  	_ =	shalt  }
0x7d: {  	_ =	shalt  }
0x7e: {  	_ =	shalt  }
0x7f: {  	_ =	shalt  }
0x80: {  	_ =	shalt  }
0x81: {  	_ =	shalt  }
0x82: {  	_ =	shalt  }
0x83: {  	_ =	shalt  }
0x84: {  	_ =	shalt  }
0x85: {  	_ =	shalt  }
0x86: {  	_ =	shalt  }
0x87: {  	_ =	shalt  }
.Lfunc_end0:
.L_simem_size_0:
called_computation_lowered:
.L_overlay_start_0:
0x88: {  	s2 =	sld [smem:$0x3FD9]  }
0x89: {  	s3 =	sld [smem:$0x3FFE];
	_ =	sdelay $0x1  }
0x8a: {  	s1 =	srdreg.scid  }
0x8b: {  	s0 =	sand.u32 $0x1, s1  }
0x8c: {  	s16 =	sshll.u32 s0, $0xA;
	s2 =	sadd.s32 s3, s2  }
0x8d: {  	s2 =	sadd.s32 s2, s16  }
0x8e: {  	[smem:$0x3FC0] =	sst s2  }
0x8f: {  	_ = 	snop  }
0x90: {  	(tm) =	ssettm $0x1  }
0x91: {  	s17 =	sld [smem:$0x3FFB];
	_ =	sdelay $0x3  }
0x92: {  	_ =	strace s17  }
0x93: {  	s2 =	sld [smem:$0x3FFC];
	_ =	sdelay $0x3  }
0x94: {  	_ =	strace s2  }
0x95: {  	s2 =	sld [smem:$0x3FFD];
	_ =	sdelay $0x3  }
0x96: {  	_ =	strace s2  }
0x97: {  	_ =	strace $0x8FFFFFFF  }
0x98: {  	s18 =	sld [smem:$0x3FDB];
	_ =	sdelay $0x1  }
0x99: {  	s19 =	simm.s32 $_scs_section_size  }
0x9a: {  	s4 =	simm.s32 $_size__tile_overlayer_lowered;
	s5 =	simm.s32 $_tile_overlayer_lowered  }
0x9b: {  	s22 =	simm.s32 $0x1BFF;
	s21 =	sshll.u32 s5, $0x1;
	s2 =	sadd.s32 s19, s18  }
0x9c: {  	s6 =	simm.s32 $0x0;
	s20 =	sshll.u32 s4, $0x1;
	s4 =	sadd.s32 s21, s2  }
0x9d: {  	[timem:s6], [sflag:s22] =	dma.local [hbm:s4], s20  }
0x9e: {  	_ =	swait.ge [sflag:s22], s20  }
0x9f: {  	s3 =	ssub.s32 $0x0, s20;
	[sflag:s22] =	ssyncset.done $0x0  }
0xa0: {  	[sflag:s22] =	ssyncadd.s32 s3;
	_ =	sdelay $0x1  }
0xa1: {  	s23 =	simm.s32 $0x1B8B  }
0xa2: {  	_ =	swait.ge [sflag:s23], $0x1  }
0xa3: {  	[sflag:s23] =	ssyncset.done $0x0  }
0xa4: {  	s25 =	simm.s32 $0x1B8E;
	s24 =	sld [smem:$0x3FFE];
	[sflag:s23] =	ssyncadd.s32 $0xFFFFFFFF  }
0xa5: {  	s26 =	simm.s32 $execute0_lowered;
	[smem:$0x3FD2] =	sst s25  }
0xa6: {  	s4 =	sshll.u32 s26, $0x1;
	_ =	strace $0x80000046;
	[dreg:$0x1] =	wrdreg $0xFFFFFFFF  }
0xa7: {  	s28 =	simm.s32 $_size_execute0_lowered;
	s2 =	sadd.s32 s2, s4;
	[dreg:$0x0] =	wrdreg $0x0  }
0xa8: {  	s4 =	sshll.u32 s28, $0x1;
	[dreg:$0x2] =	wrdreg s2  }
0xa9: {  	[dreg:$0x3] =	wrdreg s4  }
0xaa: {  	[dreg:$0x4] =	wrdreg $0xC0  }
0xab: {  	_ =	task [dreg:s6], $0x5FFFF  }
0xac: {  	[dreg:$0x1] =	wrdreg $0xFFFFFFFF  }
0xad: {  	[dreg:$0x0] =	wrdreg $0x60  }
0xae: {  	[dreg:$0x2] =	wrdreg s24  }
0xaf: {  	[dreg:$0x3] =	wrdreg $0x0  }
0xb0: {  	[dreg:$0x4] =	wrdreg $0x9  }
0xb1: {  	_ =	task.clear_ibuf [dreg:s6], $0x5FFFF;
	_ =	strace $0x90000046  }
0xb2: {  	s29 =	simm.s32 $0x9;
	_ =	strace $0x80000048  }
0xb3: {  	_ =	swait.ge [sflag:s29], $0x1  }
0xb4: {  	[sflag:s29] =	ssyncadd.s32 $0xFFFFFFFF  }
0xb5: {  	_ =	strace $0x90000048  }
0xb6: {  	_ =	sfence  }
0xb7: {  	s30 =	sld [smem:$0x0];
	_ =	sdelay $0x2  }
0xb8: {  	s31 =	sshll.u32 s1, $0xD;
	s1 =	sshrl.u32 s1, $0x2  }
0xb9: {  	s3 =	sand.u32 $0x4000, s31;
	s1 =	sadd.s32 s1, s30  }
0xba: {  	s0 =	sor.u32 s3, s0;
	s1 =	sshll.u32 s1, $0x11  }
0xbb: {  	s0 =	sor.u32 s1, s0  }
0xbc: {  	s0 =	sadd.s32 $0x8F2B, s0  }
0xbd: {  	[sflag:s0] =	ssyncadd.remote.s32 $0x1  }
0xbe: {  	_ =	sfence.sel $0xFFFF  }
0xbf: {  	[dreg:$0x0] =	wrdreg $0xFFFFFFFF;
	(pc) =	sbr.abs _section_cstart, $3  }
0xc0: {  	[dreg:$0x1] =	wrdreg $0xFFFFFFFF  }
0xc1: {  	_ =	task.clear_ibuf [dreg:s6], $0x2FFFF;
	_ =	strace $0x9FFFFFFF  }
0xc2: {  	(tm) =	ssettm $0x7FFFFFFF  }
0xc3: {  	_ =	shalt  }
tec
execute0_lowered:
.L_overlay_start_1:
0x0: {  	(tag) =	ssettag $0x1  }
0x1: {  	s5 =	rddreg [dreg:$0x0];
	s2 =	simm.s32 $0x0  }
0x2: {  	v0 =	vimm.f32 $0.0e+00;
	[smem:$0x7FF] =	sst s2  }
0x3: {  	s1 =	rddreg [dreg:$0x1];
	v1 =	vimm.f32 $1.000000000e+00;
	_ =	strace $0x80000047;
	[tilespmem:$0x280] =	vst v0  }
0x4: {  	[tilespmem:$0x570] =	vst v1  }
0x5: {  	[tilespmem:$0x560] =	vst v1  }
0x6: {  	[tilespmem:$0x550] =	vst v1  }
0x7: {  	[tilespmem:$0x540] =	vst v1  }
0x8: {  	[tilespmem:$0x530] =	vst v1  }
0x9: {  	[tilespmem:$0x520] =	vst v1  }
0xa: {  	[tilespmem:$0x510] =	vst v1  }
0xb: {  	[tilespmem:$0x500] =	vst v1  }
0xc: {  	[tilespmem:$0x4F0] =	vst v0  }
0xd: {  	[tilespmem:$0x4E0] =	vst v0  }
0xe: {  	[tilespmem:$0x4D0] =	vst v0  }
0xf: {  	[tilespmem:$0x4C0] =	vst v0  }
0x10: {  	[tilespmem:$0x4B0] =	vst v0  }
0x11: {  	[tilespmem:$0x4A0] =	vst v0  }
0x12: {  	[tilespmem:$0x490] =	vst v0  }
0x13: {  	[tilespmem:$0x480] =	vst v0  }
0x14: {  	[tilespmem:$0x470] =	vst v0  }
0x15: {  	s18 =	simm.s32 $0x280;
	[tilespmem:$0x460] =	vst v0  }
0x16: {  	s19 =	simm.s32 $0x600;
	[tilespmem:$0x450] =	vst v0;
	[dreg:$0x5] =	wrdreg s18  }
0x17: {  	s20 =	simm.s32 $0x680;
	[tilespmem:$0x440] =	vst v0;
	[dreg:$0x6] =	wrdreg s19  }
0x18: {  	s21 =	simm.s32 $0x700;
	[tilespmem:$0x430] =	vst v0;
	[dreg:$0x7] =	wrdreg s20  }
0x19: {  	s22 =	simm.s32 $0x780;
	[tilespmem:$0x420] =	vst v0;
	[dreg:$0x8] =	wrdreg s21  }
0x1a: {  	s23 =	simm.s32 $0x800;
	[tilespmem:$0x410] =	vst v0;
	[dreg:$0x9] =	wrdreg s22  }
0x1b: {  	s24 =	simm.s32 $0x880;
	[tilespmem:$0x400] =	vst v0;
	[dreg:$0xa] =	wrdreg s23  }
0x1c: {  	s25 =	simm.s32 $0x900;
	[tilespmem:$0x3F0] =	vst v0;
	[dreg:$0xb] =	wrdreg s24  }
0x1d: {  	s26 =	simm.s32 $0x980;
	[tilespmem:$0x3E0] =	vst v0;
	[dreg:$0xc] =	wrdreg s25  }
0x1e: {  	s31 =	simm.s32 $0xA00;
	[tilespmem:$0x3D0] =	vst v0;
	[dreg:$0xd] =	wrdreg s26  }
0x1f: {  	s0 =	simm.s32 $0xA80;
	[tilespmem:$0x3C0] =	vst v0;
	[dreg:$0xe] =	wrdreg s31  }
0x20: {  	s8 =	simm.s32 $0xC00;
	[tilespmem:$0x3B0] =	vst v0;
	[dreg:$0xf] =	wrdreg s0  }
0x21: {  	s9 =	simm.s32 $0xC80;
	[tilespmem:$0x3A0] =	vst v0;
	[dreg:$0x12] =	wrdreg s8  }
0x22: {  	s10 =	simm.s32 $0xD00;
	[tilespmem:$0x390] =	vst v0;
	[dreg:$0x13] =	wrdreg s9  }
0x23: {  	s11 =	simm.s32 $0xD80;
	[tilespmem:$0x380] =	vst v0;
	[dreg:$0x14] =	wrdreg s10  }
0x24: {  	s4 =	srdreg.scid;
	s12 =	simm.s32 $0xE00;
	[tilespmem:$0x370] =	vst v0;
	[dreg:$0x15] =	wrdreg s11  }
0x25: {  	s3 =	stileid.u32;
	s13 =	simm.s32 $0xE80;
	[tilespmem:$0x360] =	vst v0;
	[dreg:$0x16] =	wrdreg s12  }
0x26: {  	s14 =	simm.s32 $0xF00;
	s15 =	simm.s32 $0xF80;
	[tilespmem:$0x350] =	vst v0;
	[dreg:$0x17] =	wrdreg s13  }
0x27: {  	s16 =	simm.s32 $0x1000;
	s17 =	simm.s32 $0x1080;
	[tilespmem:$0x340] =	vst v0;
	[dreg:$0x18] =	wrdreg s14  }
0x28: {  	s28 =	sand.u32 $0x1, s4;
	s6 =	sshll.u32 s3, $0x1;
	[tilespmem:$0x330] =	vst v0;
	[dreg:$0x19] =	wrdreg s15  }
0x29: {  	s4 =	smul.u32 $0x280, s3;
	s6 =	sor.u32 s28, s6;
	[tilespmem:$0x320] =	vst v0;
	[dreg:$0x1a] =	wrdreg s16  }
0x2a: {  	s7 =	smul.u32 $0x2800, s28;
	[tilespmem:$0x310] =	vst v0;
	[dreg:$0x1b] =	wrdreg s17;
	s18 =	simm.s32 $0x1100  }
0x2b: {  	[tilespmem:$0x300] =	vst v0;
	s6 =	smul.u32 $0x280, s6;
	[dreg:$0x1c] =	wrdreg s18  }
0x2c: {  	[tilespmem:$0x2F0] =	vst v0;
	s19 =	simm.s32 $0x1180;
	s21 =	simm.s32 $0x1200;
	s20 =	rddreg [dreg:$0x5]  }
0x2d: {  	[tilespmem:$0x2E0] =	vst v0;
	[dreg:$0x1d] =	wrdreg s19;
	s7 =	sadd.s32 s4, s7;
	s6 =	sadd.s32 s6, s5  }
0x2e: {  	[tilespmem:$0x2D0] =	vst v0;
	[dreg:$0x1e] =	wrdreg s21;
	s7 =	sshrl.u32 s7, $0x3;
	s6 =	sadd.s32 $0x1400, s6  }
0x2f: {  	[tilespmem:$0x2C0] =	vst v0;
	s5 =	sadd.s32 s7, s5;
	s7 =	simm.s32 $0xB80;
	[dreg:$0x3] =	wrdreg s6  }
0x30: {  	[tilespmem:$0x2B0] =	vst v0;
	s5 =	sadd.s32 $0x6400, s5;
	[dreg:$0x11] =	wrdreg s7  }
0x31: {  	[tilespmem:$0x2A0] =	vst v0;
	s6 =	simm.s32 $0xB00;
	[dreg:$0x4] =	wrdreg s5  }
0x32: {  	[tilespmem:$0x290] =	vst v0;
	[dreg:$0x10] =	wrdreg s6;
	s5 =	sadd.s32 s4, s1;
	s4 =	simm.s32 $0x5  }
0x33: {  	[spmem:s5] =	stream.linear.scatter [tilespmem:s20], [sflag:$0x5], $0x280, $0x38;
	[tilespmem:$0x1980] =	vst v63  }
0x34: {  	_ =	swait.ge [sflag:s4], $0x280  }
0x35: {  	[sflag:s4] =	ssyncset.done $0x0  }
0x36: {  	s6 =	simm.s32 $0x580;
	s22 =	rddreg [dreg:$0x3];
	[sflag:s4] =	ssyncadd.s32 $0xFFFFFD80  }
0x37: {  	[tilespmem:s6], [sflag:$0x5] =	stream.linear.gather [hbm4b:s22+s2], $0x1400, $0x38;
	[tilespmem:$0x1980] =	vst v63  }
0x38: {  	_ =	swait.ge [sflag:s4], $0x1400  }
0x39: {  	[sflag:s4] =	ssyncset.done $0x0  }
0x3a: {  	[sflag:s4] =	ssyncadd.s32 $0xFFFFEC00  }
0x3b: {  	s8 =	simm.s32 $0x500;
	s7 =	simm.s32 $0x80;
	[bflag:$0x0] =	sbarrier.arrive $0xFFFF  }
0x3c: {  	[spmem:s1] =	stream.indirect.scatter.add.f32 [tilespmem:s8], [sflag:$0x1], $0x1, s6, s7, $0xb8;
	[tilespmem:$0x1980] =	vst v63  }
0x3d: {  	s9 =	rddreg [dreg:$0x6]  }
0x3e: {  	[spmem:s1] =	stream.indirect.scatter.add.f32 [tilespmem:s8], [sflag:$0x2], $0x1, s9, s7, $0xb8;
	[tilespmem:$0x1980] =	vst v63  }
0x3f: {  	s10 =	rddreg [dreg:$0x7]  }
0x40: {  	[spmem:s1] =	stream.indirect.scatter.add.f32 [tilespmem:s8], [sflag:$0x3], $0x1, s10, s7, $0xb8;
	[tilespmem:$0x1980] =	vst v63  }
0x41: {  	s11 =	rddreg [dreg:$0x8];
	s9 =	simm.s32 $0x1  }
0x42: {  	[spmem:s1] =	stream.indirect.scatter.add.f32 [tilespmem:s8], [sflag:$0x4], $0x1, s11, s7, $0xb8;
	[tilespmem:$0x1980] =	vst v63  }
0x43: {  	_ =	swait.ge [sflag:s9], $0x80  }
0x44: {  	[sflag:s9] =	ssyncset.done $0x0  }
0x45: {  	s10 =	simm.s32 $0x2;
	s23 =	rddreg [dreg:$0x9];
	[sflag:s9] =	ssyncadd.s32 $0xFFFFFF80  }
0x46: {  	[spmem:s1] =	stream.indirect.scatter.add.f32 [tilespmem:s8], [sflag:$0x1], $0x1, s23, s7, $0xb8;
	[tilespmem:$0x1980] =	vst v63  }
0x47: {  	_ =	swait.ge [sflag:s10], $0x80  }
0x48: {  	[sflag:s10] =	ssyncset.done $0x0  }
0x49: {  	s11 =	simm.s32 $0x3;
	s12 =	rddreg [dreg:$0xa];
	[sflag:s10] =	ssyncadd.s32 $0xFFFFFF80  }
0x4a: {  	[spmem:s1] =	stream.indirect.scatter.add.f32 [tilespmem:s8], [sflag:$0x2], $0x1, s12, s7, $0xb8;
	[tilespmem:$0x1980] =	vst v63  }
0x4b: {  	_ =	swait.ge [sflag:s11], $0x80  }
0x4c: {  	[sflag:s11] =	ssyncset.done $0x0  }
0x4d: {  	s12 =	simm.s32 $0x4;
	s13 =	rddreg [dreg:$0xb];
	[sflag:s11] =	ssyncadd.s32 $0xFFFFFF80  }
0x4e: {  	[spmem:s1] =	stream.indirect.scatter.add.f32 [tilespmem:s8], [sflag:$0x3], $0x1, s13, s7, $0xb8;
	[tilespmem:$0x1980] =	vst v63  }
0x4f: {  	_ =	swait.ge [sflag:s12], $0x80  }
0x50: {  	[sflag:s12] =	ssyncset.done $0x0  }
0x51: {  	s24 =	rddreg [dreg:$0xc];
	[sflag:s12] =	ssyncadd.s32 $0xFFFFFF80  }
0x52: {  	[spmem:s1] =	stream.indirect.scatter.add.f32 [tilespmem:s8], [sflag:$0x4], $0x1, s24, s7, $0xb8;
	[tilespmem:$0x1980] =	vst v63  }
0x53: {  	_ =	swait.ge [sflag:s9], $0x80  }
0x54: {  	[sflag:s9] =	ssyncset.done $0x0  }
0x55: {  	s25 =	rddreg [dreg:$0xd];
	[sflag:s9] =	ssyncadd.s32 $0xFFFFFF80  }
0x56: {  	[spmem:s1] =	stream.indirect.scatter.add.f32 [tilespmem:s8], [sflag:$0x1], $0x1, s25, s7, $0xb8;
	[tilespmem:$0x1980] =	vst v63  }
0x57: {  	_ =	swait.ge [sflag:s10], $0x80  }
0x58: {  	[sflag:s10] =	ssyncset.done $0x0  }
0x59: {  	s26 =	rddreg [dreg:$0xe];
	[sflag:s10] =	ssyncadd.s32 $0xFFFFFF80  }
0x5a: {  	[spmem:s1] =	stream.indirect.scatter.add.f32 [tilespmem:s8], [sflag:$0x2], $0x1, s26, s7, $0xb8;
	[tilespmem:$0x1980] =	vst v63  }
0x5b: {  	_ =	swait.ge [sflag:s11], $0x80  }
0x5c: {  	[sflag:s11] =	ssyncset.done $0x0  }
0x5d: {  	s31 =	rddreg [dreg:$0xf];
	[sflag:s11] =	ssyncadd.s32 $0xFFFFFF80  }
0x5e: {  	[spmem:s1] =	stream.indirect.scatter.add.f32 [tilespmem:s8], [sflag:$0x3], $0x1, s31, s7, $0xb8;
	[tilespmem:$0x1980] =	vst v63  }
0x5f: {  	_ =	swait.ge [sflag:s12], $0x80  }
0x60: {  	[sflag:s12] =	ssyncset.done $0x0  }
0x61: {  	s0 =	rddreg [dreg:$0x10];
	[sflag:s12] =	ssyncadd.s32 $0xFFFFFF80  }
0x62: {  	[spmem:s1] =	stream.indirect.scatter.add.f32 [tilespmem:s8], [sflag:$0x4], $0x1, s0, s7, $0xb8;
	[tilespmem:$0x1980] =	vst v63  }
0x63: {  	_ =	swait.ge [sflag:s9], $0x80  }
0x64: {  	[sflag:s9] =	ssyncset.done $0x0  }
0x65: {  	s14 =	rddreg [dreg:$0x11];
	[sflag:s9] =	ssyncadd.s32 $0xFFFFFF80  }
0x66: {  	[spmem:s1] =	stream.indirect.scatter.add.f32 [tilespmem:s8], [sflag:$0x1], $0x1, s14, s7, $0xb8;
	[tilespmem:$0x1980] =	vst v63  }
0x67: {  	_ =	swait.ge [sflag:s10], $0x80  }
0x68: {  	[sflag:s10] =	ssyncset.done $0x0  }
0x69: {  	s15 =	rddreg [dreg:$0x12];
	[sflag:s10] =	ssyncadd.s32 $0xFFFFFF80  }
0x6a: {  	[spmem:s1] =	stream.indirect.scatter.add.f32 [tilespmem:s8], [sflag:$0x2], $0x1, s15, s7, $0xb8;
	[tilespmem:$0x1980] =	vst v63  }
0x6b: {  	_ =	swait.ge [sflag:s11], $0x80  }
0x6c: {  	[sflag:s11] =	ssyncset.done $0x0  }
0x6d: {  	s16 =	rddreg [dreg:$0x13];
	[sflag:s11] =	ssyncadd.s32 $0xFFFFFF80  }
0x6e: {  	[spmem:s1] =	stream.indirect.scatter.add.f32 [tilespmem:s8], [sflag:$0x3], $0x1, s16, s7, $0xb8;
	[tilespmem:$0x1980] =	vst v63  }
0x6f: {  	_ =	swait.ge [sflag:s12], $0x80  }
0x70: {  	[sflag:s12] =	ssyncset.done $0x0  }
0x71: {  	s17 =	rddreg [dreg:$0x14];
	[sflag:s12] =	ssyncadd.s32 $0xFFFFFF80  }
0x72: {  	[spmem:s1] =	stream.indirect.scatter.add.f32 [tilespmem:s8], [sflag:$0x4], $0x1, s17, s7, $0xb8;
	[tilespmem:$0x1980] =	vst v63  }
0x73: {  	_ =	swait.ge [sflag:s9], $0x80  }
0x74: {  	[sflag:s9] =	ssyncset.done $0x0  }
0x75: {  	s18 =	rddreg [dreg:$0x15];
	[sflag:s9] =	ssyncadd.s32 $0xFFFFFF80  }
0x76: {  	[spmem:s1] =	stream.indirect.scatter.add.f32 [tilespmem:s8], [sflag:$0x1], $0x1, s18, s7, $0xb8;
	[tilespmem:$0x1980] =	vst v63  }
0x77: {  	_ =	swait.ge [sflag:s10], $0x80  }
0x78: {  	[sflag:s10] =	ssyncset.done $0x0  }
0x79: {  	s19 =	rddreg [dreg:$0x16];
	[sflag:s10] =	ssyncadd.s32 $0xFFFFFF80  }
0x7a: {  	[spmem:s1] =	stream.indirect.scatter.add.f32 [tilespmem:s8], [sflag:$0x2], $0x1, s19, s7, $0xb8;
	[tilespmem:$0x1980] =	vst v63  }
0x7b: {  	_ =	swait.ge [sflag:s11], $0x80  }
0x7c: {  	[sflag:s11] =	ssyncset.done $0x0  }
0x7d: {  	s20 =	rddreg [dreg:$0x17];
	[sflag:s11] =	ssyncadd.s32 $0xFFFFFF80  }
0x7e: {  	[spmem:s1] =	stream.indirect.scatter.add.f32 [tilespmem:s8], [sflag:$0x3], $0x1, s20, s7, $0xb8;
	[tilespmem:$0x1980] =	vst v63  }
0x7f: {  	_ =	swait.ge [sflag:s12], $0x80  }
0x80: {  	[sflag:s12] =	ssyncset.done $0x0  }
0x81: {  	s21 =	rddreg [dreg:$0x18];
	[sflag:s12] =	ssyncadd.s32 $0xFFFFFF80  }
0x82: {  	[spmem:s1] =	stream.indirect.scatter.add.f32 [tilespmem:s8], [sflag:$0x4], $0x1, s21, s7, $0xb8;
	[tilespmem:$0x1980] =	vst v63  }
0x83: {  	_ =	swait.ge [sflag:s9], $0x80  }
0x84: {  	[sflag:s9] =	ssyncset.done $0x0  }
0x85: {  	s22 =	rddreg [dreg:$0x19];
	[sflag:s9] =	ssyncadd.s32 $0xFFFFFF80  }
0x86: {  	[spmem:s1] =	stream.indirect.scatter.add.f32 [tilespmem:s8], [sflag:$0x1], $0x1, s22, s7, $0xb8;
	[tilespmem:$0x1980] =	vst v63  }
0x87: {  	_ =	swait.ge [sflag:s10], $0x80  }
0x88: {  	[sflag:s10] =	ssyncset.done $0x0  }
0x89: {  	s23 =	rddreg [dreg:$0x1a];
	[sflag:s10] =	ssyncadd.s32 $0xFFFFFF80  }
0x8a: {  	[spmem:s1] =	stream.indirect.scatter.add.f32 [tilespmem:s8], [sflag:$0x2], $0x1, s23, s7, $0xb8;
	[tilespmem:$0x1980] =	vst v63  }
0x8b: {  	_ =	swait.ge [sflag:s11], $0x80  }
0x8c: {  	[sflag:s11] =	ssyncset.done $0x0  }
0x8d: {  	s24 =	rddreg [dreg:$0x1b];
	[sflag:s11] =	ssyncadd.s32 $0xFFFFFF80  }
0x8e: {  	[spmem:s1] =	stream.indirect.scatter.add.f32 [tilespmem:s8], [sflag:$0x3], $0x1, s24, s7, $0xb8;
	[tilespmem:$0x1980] =	vst v63  }
0x8f: {  	_ =	swait.ge [sflag:s12], $0x80  }
0x90: {  	[sflag:s12] =	ssyncset.done $0x0  }
0x91: {  	s25 =	rddreg [dreg:$0x1c];
	[sflag:s12] =	ssyncadd.s32 $0xFFFFFF80  }
0x92: {  	[spmem:s1] =	stream.indirect.scatter.add.f32 [tilespmem:s8], [sflag:$0x4], $0x1, s25, s7, $0xb8;
	[tilespmem:$0x1980] =	vst v63  }
0x93: {  	_ =	swait.ge [sflag:s9], $0x80  }
0x94: {  	[sflag:s9] =	ssyncset.done $0x0  }
0x95: {  	s26 =	rddreg [dreg:$0x1d];
	[sflag:s9] =	ssyncadd.s32 $0xFFFFFF80  }
0x96: {  	[spmem:s1] =	stream.indirect.scatter.add.f32 [tilespmem:s8], [sflag:$0x1], $0x1, s26, s7, $0xb8;
	[tilespmem:$0x1980] =	vst v63  }
0x97: {  	_ =	swait.ge [sflag:s10], $0x80  }
0x98: {  	[sflag:s10] =	ssyncset.done $0x0  }
0x99: {  	s31 =	rddreg [dreg:$0x1e];
	[sflag:s10] =	ssyncadd.s32 $0xFFFFFF80  }
0x9a: {  	[spmem:s1] =	stream.indirect.scatter.add.f32 [tilespmem:s8], [sflag:$0x2], $0x1, s31, s7, $0xb8;
	[tilespmem:$0x1980] =	vst v63  }
0x9b: {  	_ =	swait.ge [sflag:s11], $0x80  }
0x9c: {  	[sflag:s11] =	ssyncset.done $0x0  }
0x9d: {  	s13 =	simm.s32 $0x1280;
	[sflag:s11] =	ssyncadd.s32 $0xFFFFFF80  }
0x9e: {  	[spmem:s1] =	stream.indirect.scatter.add.f32 [tilespmem:s8], [sflag:$0x3], $0x1, s13, s7, $0xb8;
	[tilespmem:$0x1980] =	vst v63  }
0x9f: {  	_ =	swait.ge [sflag:s12], $0x80  }
0xa0: {  	[sflag:s12] =	ssyncset.done $0x0  }
0xa1: {  	s14 =	simm.s32 $0x1300;
	[sflag:s12] =	ssyncadd.s32 $0xFFFFFF80  }
0xa2: {  	[spmem:s1] =	stream.indirect.scatter.add.f32 [tilespmem:s8], [sflag:$0x4], $0x1, s14, s7, $0xb8;
	[tilespmem:$0x1980] =	vst v63  }
0xa3: {  	_ =	swait.ge [sflag:s9], $0x80  }
0xa4: {  	[sflag:s9] =	ssyncset.done $0x0  }
0xa5: {  	s15 =	simm.s32 $0x1380;
	[sflag:s9] =	ssyncadd.s32 $0xFFFFFF80  }
0xa6: {  	[spmem:s1] =	stream.indirect.scatter.add.f32 [tilespmem:s8], [sflag:$0x1], $0x1, s15, s7, $0xb8;
	[tilespmem:$0x1980] =	vst v63  }
0xa7: {  	_ =	swait.ge [sflag:s10], $0x80  }
0xa8: {  	[sflag:s10] =	ssyncset.done $0x0  }
0xa9: {  	s16 =	simm.s32 $0x1400;
	[sflag:s10] =	ssyncadd.s32 $0xFFFFFF80  }
0xaa: {  	[spmem:s1] =	stream.indirect.scatter.add.f32 [tilespmem:s8], [sflag:$0x2], $0x1, s16, s7, $0xb8;
	[tilespmem:$0x1980] =	vst v63  }
0xab: {  	_ =	swait.ge [sflag:s11], $0x80  }
0xac: {  	[sflag:s11] =	ssyncset.done $0x0  }
0xad: {  	s17 =	simm.s32 $0x1480;
	[sflag:s11] =	ssyncadd.s32 $0xFFFFFF80  }
0xae: {  	[spmem:s1] =	stream.indirect.scatter.add.f32 [tilespmem:s8], [sflag:$0x3], $0x1, s17, s7, $0xb8;
	[tilespmem:$0x1980] =	vst v63  }
0xaf: {  	_ =	swait.ge [sflag:s12], $0x80  }
0xb0: {  	[sflag:s12] =	ssyncset.done $0x0  }
0xb1: {  	s18 =	simm.s32 $0x1500;
	[sflag:s12] =	ssyncadd.s32 $0xFFFFFF80  }
0xb2: {  	[spmem:s1] =	stream.indirect.scatter.add.f32 [tilespmem:s8], [sflag:$0x4], $0x1, s18, s7, $0xb8;
	[tilespmem:$0x1980] =	vst v63  }
0xb3: {  	_ =	swait.ge [sflag:s9], $0x80  }
0xb4: {  	[sflag:s9] =	ssyncset.done $0x0  }
0xb5: {  	s19 =	simm.s32 $0x1580;
	[sflag:s9] =	ssyncadd.s32 $0xFFFFFF80  }
0xb6: {  	[spmem:s1] =	stream.indirect.scatter.add.f32 [tilespmem:s8], [sflag:$0x1], $0x1, s19, s7, $0xb8;
	[tilespmem:$0x1980] =	vst v63  }
0xb7: {  	_ =	swait.ge [sflag:s10], $0x80  }
0xb8: {  	[sflag:s10] =	ssyncset.done $0x0  }
0xb9: {  	s20 =	simm.s32 $0x1600;
	[sflag:s10] =	ssyncadd.s32 $0xFFFFFF80  }
0xba: {  	[spmem:s1] =	stream.indirect.scatter.add.f32 [tilespmem:s8], [sflag:$0x2], $0x1, s20, s7, $0xb8;
	[tilespmem:$0x1980] =	vst v63  }
0xbb: {  	_ =	swait.ge [sflag:s11], $0x80  }
0xbc: {  	[sflag:s11] =	ssyncset.done $0x0  }
0xbd: {  	s21 =	simm.s32 $0x1680;
	[sflag:s11] =	ssyncadd.s32 $0xFFFFFF80  }
0xbe: {  	[spmem:s1] =	stream.indirect.scatter.add.f32 [tilespmem:s8], [sflag:$0x3], $0x1, s21, s7, $0xb8;
	[tilespmem:$0x1980] =	vst v63  }
0xbf: {  	_ =	swait.ge [sflag:s12], $0x80  }
0xc0: {  	[sflag:s12] =	ssyncset.done $0x0  }
0xc1: {  	s22 =	simm.s32 $0x1700;
	[sflag:s12] =	ssyncadd.s32 $0xFFFFFF80  }
0xc2: {  	[spmem:s1] =	stream.indirect.scatter.add.f32 [tilespmem:s8], [sflag:$0x4], $0x1, s22, s7, $0xb8;
	[tilespmem:$0x1980] =	vst v63  }
0xc3: {  	_ =	swait.ge [sflag:s9], $0x80  }
0xc4: {  	[sflag:s9] =	ssyncset.done $0x0  }
0xc5: {  	s23 =	simm.s32 $0x1780;
	[sflag:s9] =	ssyncadd.s32 $0xFFFFFF80  }
0xc6: {  	[spmem:s1] =	stream.indirect.scatter.add.f32 [tilespmem:s8], [sflag:$0x1], $0x1, s23, s7, $0xb8;
	[tilespmem:$0x1980] =	vst v63  }
0xc7: {  	_ =	swait.ge [sflag:s10], $0x80  }
0xc8: {  	[sflag:s10] =	ssyncset.done $0x0  }
0xc9: {  	s24 =	simm.s32 $0x1800;
	[sflag:s10] =	ssyncadd.s32 $0xFFFFFF80  }
0xca: {  	[spmem:s1] =	stream.indirect.scatter.add.f32 [tilespmem:s8], [sflag:$0x2], $0x1, s24, s7, $0xb8;
	[tilespmem:$0x1980] =	vst v63  }
0xcb: {  	_ =	swait.ge [sflag:s11], $0x80  }
0xcc: {  	[sflag:s11] =	ssyncset.done $0x0  }
0xcd: {  	s25 =	simm.s32 $0x1880;
	[sflag:s11] =	ssyncadd.s32 $0xFFFFFF80  }
0xce: {  	[spmem:s1] =	stream.indirect.scatter.add.f32 [tilespmem:s8], [sflag:$0x3], $0x1, s25, s7, $0xb8;
	[tilespmem:$0x1980] =	vst v63  }
0xcf: {  	_ =	swait.ge [sflag:s12], $0x80  }
0xd0: {  	[sflag:s12] =	ssyncset.done $0x0  }
0xd1: {  	s26 =	simm.s32 $0x1900;
	[sflag:s12] =	ssyncadd.s32 $0xFFFFFF80  }
0xd2: {  	[spmem:s1] =	stream.indirect.scatter.add.f32 [tilespmem:s8], [sflag:$0x4], $0x1, s26, s7, $0xb8;
	[tilespmem:$0x1980] =	vst v63  }
0xd3: {  	_ =	swait.ge [sflag:s9], $0x80  }
0xd4: {  	[sflag:s9] =	ssyncset.done $0x0  }
0xd5: {  	[sflag:s9] =	ssyncadd.s32 $0xFFFFFF80  }
0xd6: {  	_ =	swait.ge [sflag:s10], $0x80  }
0xd7: {  	[sflag:s10] =	ssyncset.done $0x0  }
0xd8: {  	[sflag:s10] =	ssyncadd.s32 $0xFFFFFF80  }
0xd9: {  	_ =	swait.ge [sflag:s11], $0x80  }
0xda: {  	s28 =	ssub.s32 $0x2, s28;
	[sflag:s11] =	ssyncset.done $0x0  }
0xdb: {  	s29 =	sshrl.u32 s28, $0x1;
	[sflag:s11] =	ssyncadd.s32 $0xFFFFFF80  }
0xdc: {  	s0 =	ssub.s32 s28, s29;
	_ =	swait.ge [sflag:s12], $0x80  }
0xdd: {  	s0 =	smax.u32 s0, $0x1;
	[sflag:s12] =	ssyncset.done $0x0  }
0xde: {  	p0 =	sne.s32 s0, $0x1;
	[sflag:s12] =	ssyncadd.s32 $0xFFFFFF80  }
.Ltmp0:
0xdf: {  	s31 =	sshll.u32 s3, $0x6;
	[bflag:$0x0] =	sbarrier.arrive $0xFFFF;
	(pc) =	sbr.rel @!p0 .LBB2_2-.Ltmp0, $4  }
0xe0: {  	s29 =	sshrl.u32 s5, $0x3;
	s28 =	sor.u32 $0x1C05, s31;
	s30 =	rddreg [dreg:$0x4]  }
0xe1: {  	[hbm:s30], [sflag:s28] =	dma.local [spmem:s29], $0x50  }
0xe2: {  	_ =	swait.ge [sflag:s4], $0x50  }
0xe3: {  	s30 =	sadd.s32 $0xFFFFFFFF, s0;
	[sflag:s4] =	ssyncset.done $0x0  }
.LBB2_1:
0xe4: {  	[sflag:s4] =	ssyncadd.s32 $0xFFFFFFB0  }
0xe5: {  	[tilespmem:$0x280] =	vst v0  }
0xe6: {  	[tilespmem:$0x570] =	vst v1  }
0xe7: {  	[tilespmem:$0x560] =	vst v1  }
0xe8: {  	[tilespmem:$0x550] =	vst v1  }
0xe9: {  	[tilespmem:$0x540] =	vst v1  }
0xea: {  	[tilespmem:$0x530] =	vst v1  }
0xeb: {  	[tilespmem:$0x520] =	vst v1  }
0xec: {  	[tilespmem:$0x510] =	vst v1  }
0xed: {  	[tilespmem:$0x500] =	vst v1  }
0xee: {  	[tilespmem:$0x4F0] =	vst v0  }
0xef: {  	[tilespmem:$0x4E0] =	vst v0  }
0xf0: {  	[tilespmem:$0x4D0] =	vst v0  }
0xf1: {  	[tilespmem:$0x4C0] =	vst v0  }
0xf2: {  	[tilespmem:$0x4B0] =	vst v0  }
0xf3: {  	[tilespmem:$0x4A0] =	vst v0  }
0xf4: {  	[tilespmem:$0x490] =	vst v0  }
0xf5: {  	[tilespmem:$0x480] =	vst v0  }
0xf6: {  	[tilespmem:$0x470] =	vst v0  }
0xf7: {  	[tilespmem:$0x460] =	vst v0  }
0xf8: {  	[tilespmem:$0x450] =	vst v0  }
0xf9: {  	[tilespmem:$0x440] =	vst v0  }
0xfa: {  	[tilespmem:$0x430] =	vst v0  }
0xfb: {  	[tilespmem:$0x420] =	vst v0  }
0xfc: {  	[tilespmem:$0x410] =	vst v0  }
0xfd: {  	[tilespmem:$0x400] =	vst v0  }
0xfe: {  	[tilespmem:$0x3F0] =	vst v0  }
0xff: {  	[tilespmem:$0x3E0] =	vst v0  }
0x100: {  	[tilespmem:$0x3D0] =	vst v0  }
0x101: {  	[tilespmem:$0x3C0] =	vst v0  }
0x102: {  	[tilespmem:$0x3B0] =	vst v0  }
0x103: {  	[tilespmem:$0x3A0] =	vst v0  }
0x104: {  	[tilespmem:$0x390] =	vst v0  }
0x105: {  	[tilespmem:$0x380] =	vst v0  }
0x106: {  	[tilespmem:$0x370] =	vst v0  }
0x107: {  	[tilespmem:$0x360] =	vst v0  }
0x108: {  	[tilespmem:$0x350] =	vst v0  }
0x109: {  	[tilespmem:$0x340] =	vst v0  }
0x10a: {  	[tilespmem:$0x330] =	vst v0  }
0x10b: {  	[tilespmem:$0x320] =	vst v0  }
0x10c: {  	[tilespmem:$0x310] =	vst v0  }
0x10d: {  	[tilespmem:$0x300] =	vst v0  }
0x10e: {  	[tilespmem:$0x2F0] =	vst v0  }
0x10f: {  	[tilespmem:$0x2E0] =	vst v0  }
0x110: {  	[tilespmem:$0x2D0] =	vst v0  }
0x111: {  	[tilespmem:$0x2C0] =	vst v0  }
0x112: {  	[tilespmem:$0x2B0] =	vst v0  }
0x113: {  	[tilespmem:$0x2A0] =	vst v0  }
0x114: {  	s0 =	rddreg [dreg:$0x5];
	[tilespmem:$0x290] =	vst v0  }
0x115: {  	[spmem:s5] =	stream.linear.scatter [tilespmem:s0], [sflag:$0x5], $0x280, $0x38;
	[tilespmem:$0x1980] =	vst v63  }
0x116: {  	_ =	swait.ge [sflag:s4], $0x280  }
0x117: {  	[sflag:s4] =	ssyncset.done $0x0  }
0x118: {  	s31 =	rddreg [dreg:$0x3];
	[sflag:s4] =	ssyncadd.s32 $0xFFFFFD80  }
0x119: {  	[tilespmem:s6], [sflag:$0x5] =	stream.linear.gather [hbm4b:s31+s2], $0x1400, $0x38;
	[tilespmem:$0x1980] =	vst v63  }
0x11a: {  	_ =	swait.ge [sflag:s4], $0x1400  }
0x11b: {  	[sflag:s4] =	ssyncset.done $0x0  }
0x11c: {  	[sflag:s4] =	ssyncadd.s32 $0xFFFFEC00  }
0x11d: {  	[bflag:$0x0] =	sbarrier.arrive $0xFFFF  }
0x11e: {  	[spmem:s1] =	stream.indirect.scatter.add.f32 [tilespmem:s8], [sflag:$0x1], $0x1, s6, s7, $0xb8;
	[tilespmem:$0x1980] =	vst v63  }
0x11f: {  	s0 =	rddreg [dreg:$0x6]  }
0x120: {  	[spmem:s1] =	stream.indirect.scatter.add.f32 [tilespmem:s8], [sflag:$0x2], $0x1, s0, s7, $0xb8;
	[tilespmem:$0x1980] =	vst v63  }
0x121: {  	s31 =	rddreg [dreg:$0x7]  }
0x122: {  	[spmem:s1] =	stream.indirect.scatter.add.f32 [tilespmem:s8], [sflag:$0x3], $0x1, s31, s7, $0xb8;
	[tilespmem:$0x1980] =	vst v63  }
0x123: {  	s0 =	rddreg [dreg:$0x8]  }
0x124: {  	[spmem:s1] =	stream.indirect.scatter.add.f32 [tilespmem:s8], [sflag:$0x4], $0x1, s0, s7, $0xb8;
	[tilespmem:$0x1980] =	vst v63  }
0x125: {  	_ =	swait.ge [sflag:s9], $0x80  }
0x126: {  	[sflag:s9] =	ssyncset.done $0x0  }
0x127: {  	s31 =	rddreg [dreg:$0x9];
	[sflag:s9] =	ssyncadd.s32 $0xFFFFFF80  }
0x128: {  	[spmem:s1] =	stream.indirect.scatter.add.f32 [tilespmem:s8], [sflag:$0x1], $0x1, s31, s7, $0xb8;
	[tilespmem:$0x1980] =	vst v63  }
0x129: {  	_ =	swait.ge [sflag:s10], $0x80  }
0x12a: {  	[sflag:s10] =	ssyncset.done $0x0  }
0x12b: {  	s31 =	rddreg [dreg:$0xa];
	[sflag:s10] =	ssyncadd.s32 $0xFFFFFF80  }
0x12c: {  	[spmem:s1] =	stream.indirect.scatter.add.f32 [tilespmem:s8], [sflag:$0x2], $0x1, s31, s7, $0xb8;
	[tilespmem:$0x1980] =	vst v63  }
0x12d: {  	_ =	swait.ge [sflag:s11], $0x80  }
0x12e: {  	[sflag:s11] =	ssyncset.done $0x0  }
0x12f: {  	s31 =	rddreg [dreg:$0xb];
	[sflag:s11] =	ssyncadd.s32 $0xFFFFFF80  }
0x130: {  	[spmem:s1] =	stream.indirect.scatter.add.f32 [tilespmem:s8], [sflag:$0x3], $0x1, s31, s7, $0xb8;
	[tilespmem:$0x1980] =	vst v63  }
0x131: {  	_ =	swait.ge [sflag:s12], $0x80  }
0x132: {  	[sflag:s12] =	ssyncset.done $0x0  }
0x133: {  	s31 =	rddreg [dreg:$0xc];
	[sflag:s12] =	ssyncadd.s32 $0xFFFFFF80  }
0x134: {  	[spmem:s1] =	stream.indirect.scatter.add.f32 [tilespmem:s8], [sflag:$0x4], $0x1, s31, s7, $0xb8;
	[tilespmem:$0x1980] =	vst v63  }
0x135: {  	_ =	swait.ge [sflag:s9], $0x80  }
0x136: {  	[sflag:s9] =	ssyncset.done $0x0  }
0x137: {  	s31 =	rddreg [dreg:$0xd];
	[sflag:s9] =	ssyncadd.s32 $0xFFFFFF80  }
0x138: {  	[spmem:s1] =	stream.indirect.scatter.add.f32 [tilespmem:s8], [sflag:$0x1], $0x1, s31, s7, $0xb8;
	[tilespmem:$0x1980] =	vst v63  }
0x139: {  	_ =	swait.ge [sflag:s10], $0x80  }
0x13a: {  	[sflag:s10] =	ssyncset.done $0x0  }
0x13b: {  	s31 =	rddreg [dreg:$0xe];
	[sflag:s10] =	ssyncadd.s32 $0xFFFFFF80  }
0x13c: {  	[spmem:s1] =	stream.indirect.scatter.add.f32 [tilespmem:s8], [sflag:$0x2], $0x1, s31, s7, $0xb8;
	[tilespmem:$0x1980] =	vst v63  }
0x13d: {  	_ =	swait.ge [sflag:s11], $0x80  }
0x13e: {  	[sflag:s11] =	ssyncset.done $0x0  }
0x13f: {  	s31 =	rddreg [dreg:$0xf];
	[sflag:s11] =	ssyncadd.s32 $0xFFFFFF80  }
0x140: {  	[spmem:s1] =	stream.indirect.scatter.add.f32 [tilespmem:s8], [sflag:$0x3], $0x1, s31, s7, $0xb8;
	[tilespmem:$0x1980] =	vst v63  }
0x141: {  	_ =	swait.ge [sflag:s12], $0x80  }
0x142: {  	[sflag:s12] =	ssyncset.done $0x0  }
0x143: {  	s31 =	rddreg [dreg:$0x10];
	[sflag:s12] =	ssyncadd.s32 $0xFFFFFF80  }
0x144: {  	[spmem:s1] =	stream.indirect.scatter.add.f32 [tilespmem:s8], [sflag:$0x4], $0x1, s31, s7, $0xb8;
	[tilespmem:$0x1980] =	vst v63  }
0x145: {  	_ =	swait.ge [sflag:s9], $0x80  }
0x146: {  	[sflag:s9] =	ssyncset.done $0x0  }
0x147: {  	s31 =	rddreg [dreg:$0x11];
	[sflag:s9] =	ssyncadd.s32 $0xFFFFFF80  }
0x148: {  	[spmem:s1] =	stream.indirect.scatter.add.f32 [tilespmem:s8], [sflag:$0x1], $0x1, s31, s7, $0xb8;
	[tilespmem:$0x1980] =	vst v63  }
0x149: {  	_ =	swait.ge [sflag:s10], $0x80  }
0x14a: {  	[sflag:s10] =	ssyncset.done $0x0  }
0x14b: {  	s31 =	rddreg [dreg:$0x12];
	[sflag:s10] =	ssyncadd.s32 $0xFFFFFF80  }
0x14c: {  	[spmem:s1] =	stream.indirect.scatter.add.f32 [tilespmem:s8], [sflag:$0x2], $0x1, s31, s7, $0xb8;
	[tilespmem:$0x1980] =	vst v63  }
0x14d: {  	_ =	swait.ge [sflag:s11], $0x80  }
0x14e: {  	[sflag:s11] =	ssyncset.done $0x0  }
0x14f: {  	s31 =	rddreg [dreg:$0x13];
	[sflag:s11] =	ssyncadd.s32 $0xFFFFFF80  }
0x150: {  	[spmem:s1] =	stream.indirect.scatter.add.f32 [tilespmem:s8], [sflag:$0x3], $0x1, s31, s7, $0xb8;
	[tilespmem:$0x1980] =	vst v63  }
0x151: {  	_ =	swait.ge [sflag:s12], $0x80  }
0x152: {  	[sflag:s12] =	ssyncset.done $0x0  }
0x153: {  	s31 =	rddreg [dreg:$0x14];
	[sflag:s12] =	ssyncadd.s32 $0xFFFFFF80  }
0x154: {  	[spmem:s1] =	stream.indirect.scatter.add.f32 [tilespmem:s8], [sflag:$0x4], $0x1, s31, s7, $0xb8;
	[tilespmem:$0x1980] =	vst v63  }
0x155: {  	_ =	swait.ge [sflag:s9], $0x80  }
0x156: {  	[sflag:s9] =	ssyncset.done $0x0  }
0x157: {  	s31 =	rddreg [dreg:$0x15];
	[sflag:s9] =	ssyncadd.s32 $0xFFFFFF80  }
0x158: {  	[spmem:s1] =	stream.indirect.scatter.add.f32 [tilespmem:s8], [sflag:$0x1], $0x1, s31, s7, $0xb8;
	[tilespmem:$0x1980] =	vst v63  }
0x159: {  	_ =	swait.ge [sflag:s10], $0x80  }
0x15a: {  	[sflag:s10] =	ssyncset.done $0x0  }
0x15b: {  	s31 =	rddreg [dreg:$0x16];
	[sflag:s10] =	ssyncadd.s32 $0xFFFFFF80  }
0x15c: {  	[spmem:s1] =	stream.indirect.scatter.add.f32 [tilespmem:s8], [sflag:$0x2], $0x1, s31, s7, $0xb8;
	[tilespmem:$0x1980] =	vst v63  }
0x15d: {  	_ =	swait.ge [sflag:s11], $0x80  }
0x15e: {  	[sflag:s11] =	ssyncset.done $0x0  }
0x15f: {  	s31 =	rddreg [dreg:$0x17];
	[sflag:s11] =	ssyncadd.s32 $0xFFFFFF80  }
0x160: {  	[spmem:s1] =	stream.indirect.scatter.add.f32 [tilespmem:s8], [sflag:$0x3], $0x1, s31, s7, $0xb8;
	[tilespmem:$0x1980] =	vst v63  }
0x161: {  	_ =	swait.ge [sflag:s12], $0x80  }
0x162: {  	[sflag:s12] =	ssyncset.done $0x0  }
0x163: {  	s31 =	rddreg [dreg:$0x18];
	[sflag:s12] =	ssyncadd.s32 $0xFFFFFF80  }
0x164: {  	[spmem:s1] =	stream.indirect.scatter.add.f32 [tilespmem:s8], [sflag:$0x4], $0x1, s31, s7, $0xb8;
	[tilespmem:$0x1980] =	vst v63  }
0x165: {  	_ =	swait.ge [sflag:s9], $0x80  }
0x166: {  	[sflag:s9] =	ssyncset.done $0x0  }
0x167: {  	s31 =	rddreg [dreg:$0x19];
	[sflag:s9] =	ssyncadd.s32 $0xFFFFFF80  }
0x168: {  	[spmem:s1] =	stream.indirect.scatter.add.f32 [tilespmem:s8], [sflag:$0x1], $0x1, s31, s7, $0xb8;
	[tilespmem:$0x1980] =	vst v63  }
0x169: {  	_ =	swait.ge [sflag:s10], $0x80  }
0x16a: {  	[sflag:s10] =	ssyncset.done $0x0  }
0x16b: {  	s31 =	rddreg [dreg:$0x1a];
	[sflag:s10] =	ssyncadd.s32 $0xFFFFFF80  }
0x16c: {  	[spmem:s1] =	stream.indirect.scatter.add.f32 [tilespmem:s8], [sflag:$0x2], $0x1, s31, s7, $0xb8;
	[tilespmem:$0x1980] =	vst v63  }
0x16d: {  	_ =	swait.ge [sflag:s11], $0x80  }
0x16e: {  	[sflag:s11] =	ssyncset.done $0x0  }
0x16f: {  	s31 =	rddreg [dreg:$0x1b];
	[sflag:s11] =	ssyncadd.s32 $0xFFFFFF80  }
0x170: {  	[spmem:s1] =	stream.indirect.scatter.add.f32 [tilespmem:s8], [sflag:$0x3], $0x1, s31, s7, $0xb8;
	[tilespmem:$0x1980] =	vst v63  }
0x171: {  	_ =	swait.ge [sflag:s12], $0x80  }
0x172: {  	[sflag:s12] =	ssyncset.done $0x0  }
0x173: {  	s31 =	rddreg [dreg:$0x1c];
	[sflag:s12] =	ssyncadd.s32 $0xFFFFFF80  }
0x174: {  	[spmem:s1] =	stream.indirect.scatter.add.f32 [tilespmem:s8], [sflag:$0x4], $0x1, s31, s7, $0xb8;
	[tilespmem:$0x1980] =	vst v63  }
0x175: {  	_ =	swait.ge [sflag:s9], $0x80  }
0x176: {  	[sflag:s9] =	ssyncset.done $0x0  }
0x177: {  	s31 =	rddreg [dreg:$0x1d];
	[sflag:s9] =	ssyncadd.s32 $0xFFFFFF80  }
0x178: {  	[spmem:s1] =	stream.indirect.scatter.add.f32 [tilespmem:s8], [sflag:$0x1], $0x1, s31, s7, $0xb8;
	[tilespmem:$0x1980] =	vst v63  }
0x179: {  	_ =	swait.ge [sflag:s10], $0x80  }
0x17a: {  	[sflag:s10] =	ssyncset.done $0x0  }
0x17b: {  	s31 =	rddreg [dreg:$0x1e];
	[sflag:s10] =	ssyncadd.s32 $0xFFFFFF80  }
0x17c: {  	[spmem:s1] =	stream.indirect.scatter.add.f32 [tilespmem:s8], [sflag:$0x2], $0x1, s31, s7, $0xb8;
	[tilespmem:$0x1980] =	vst v63  }
0x17d: {  	_ =	swait.ge [sflag:s11], $0x80  }
0x17e: {  	[sflag:s11] =	ssyncset.done $0x0  }
0x17f: {  	[sflag:s11] =	ssyncadd.s32 $0xFFFFFF80  }
0x180: {  	[spmem:s1] =	stream.indirect.scatter.add.f32 [tilespmem:s8], [sflag:$0x3], $0x1, s13, s7, $0xb8;
	[tilespmem:$0x1980] =	vst v63  }
0x181: {  	_ =	swait.ge [sflag:s12], $0x80  }
0x182: {  	[sflag:s12] =	ssyncset.done $0x0  }
0x183: {  	[sflag:s12] =	ssyncadd.s32 $0xFFFFFF80  }
0x184: {  	[spmem:s1] =	stream.indirect.scatter.add.f32 [tilespmem:s8], [sflag:$0x4], $0x1, s14, s7, $0xb8;
	[tilespmem:$0x1980] =	vst v63  }
0x185: {  	_ =	swait.ge [sflag:s9], $0x80  }
0x186: {  	[sflag:s9] =	ssyncset.done $0x0  }
0x187: {  	[sflag:s9] =	ssyncadd.s32 $0xFFFFFF80  }
0x188: {  	[spmem:s1] =	stream.indirect.scatter.add.f32 [tilespmem:s8], [sflag:$0x1], $0x1, s15, s7, $0xb8;
	[tilespmem:$0x1980] =	vst v63  }
0x189: {  	_ =	swait.ge [sflag:s10], $0x80  }
0x18a: {  	[sflag:s10] =	ssyncset.done $0x0  }
0x18b: {  	[sflag:s10] =	ssyncadd.s32 $0xFFFFFF80  }
0x18c: {  	[spmem:s1] =	stream.indirect.scatter.add.f32 [tilespmem:s8], [sflag:$0x2], $0x1, s16, s7, $0xb8;
	[tilespmem:$0x1980] =	vst v63  }
0x18d: {  	_ =	swait.ge [sflag:s11], $0x80  }
0x18e: {  	[sflag:s11] =	ssyncset.done $0x0  }
0x18f: {  	[sflag:s11] =	ssyncadd.s32 $0xFFFFFF80  }
0x190: {  	[spmem:s1] =	stream.indirect.scatter.add.f32 [tilespmem:s8], [sflag:$0x3], $0x1, s17, s7, $0xb8;
	[tilespmem:$0x1980] =	vst v63  }
0x191: {  	_ =	swait.ge [sflag:s12], $0x80  }
0x192: {  	[sflag:s12] =	ssyncset.done $0x0  }
0x193: {  	[sflag:s12] =	ssyncadd.s32 $0xFFFFFF80  }
0x194: {  	[spmem:s1] =	stream.indirect.scatter.add.f32 [tilespmem:s8], [sflag:$0x4], $0x1, s18, s7, $0xb8;
	[tilespmem:$0x1980] =	vst v63  }
0x195: {  	_ =	swait.ge [sflag:s9], $0x80  }
0x196: {  	[sflag:s9] =	ssyncset.done $0x0  }
0x197: {  	[sflag:s9] =	ssyncadd.s32 $0xFFFFFF80  }
0x198: {  	[spmem:s1] =	stream.indirect.scatter.add.f32 [tilespmem:s8], [sflag:$0x1], $0x1, s19, s7, $0xb8;
	[tilespmem:$0x1980] =	vst v63  }
0x199: {  	_ =	swait.ge [sflag:s10], $0x80  }
0x19a: {  	[sflag:s10] =	ssyncset.done $0x0  }
0x19b: {  	[sflag:s10] =	ssyncadd.s32 $0xFFFFFF80  }
0x19c: {  	[spmem:s1] =	stream.indirect.scatter.add.f32 [tilespmem:s8], [sflag:$0x2], $0x1, s20, s7, $0xb8;
	[tilespmem:$0x1980] =	vst v63  }
0x19d: {  	_ =	swait.ge [sflag:s11], $0x80  }
0x19e: {  	[sflag:s11] =	ssyncset.done $0x0  }
0x19f: {  	[sflag:s11] =	ssyncadd.s32 $0xFFFFFF80  }
0x1a0: {  	[spmem:s1] =	stream.indirect.scatter.add.f32 [tilespmem:s8], [sflag:$0x3], $0x1, s21, s7, $0xb8;
	[tilespmem:$0x1980] =	vst v63  }
0x1a1: {  	_ =	swait.ge [sflag:s12], $0x80  }
0x1a2: {  	[sflag:s12] =	ssyncset.done $0x0  }
0x1a3: {  	[sflag:s12] =	ssyncadd.s32 $0xFFFFFF80  }
0x1a4: {  	[spmem:s1] =	stream.indirect.scatter.add.f32 [tilespmem:s8], [sflag:$0x4], $0x1, s22, s7, $0xb8;
	[tilespmem:$0x1980] =	vst v63  }
0x1a5: {  	_ =	swait.ge [sflag:s9], $0x80  }
0x1a6: {  	[sflag:s9] =	ssyncset.done $0x0  }
0x1a7: {  	[sflag:s9] =	ssyncadd.s32 $0xFFFFFF80  }
0x1a8: {  	[spmem:s1] =	stream.indirect.scatter.add.f32 [tilespmem:s8], [sflag:$0x1], $0x1, s23, s7, $0xb8;
	[tilespmem:$0x1980] =	vst v63  }
0x1a9: {  	_ =	swait.ge [sflag:s10], $0x80  }
0x1aa: {  	[sflag:s10] =	ssyncset.done $0x0  }
0x1ab: {  	[sflag:s10] =	ssyncadd.s32 $0xFFFFFF80  }
0x1ac: {  	[spmem:s1] =	stream.indirect.scatter.add.f32 [tilespmem:s8], [sflag:$0x2], $0x1, s24, s7, $0xb8;
	[tilespmem:$0x1980] =	vst v63  }
0x1ad: {  	_ =	swait.ge [sflag:s11], $0x80  }
0x1ae: {  	[sflag:s11] =	ssyncset.done $0x0  }
0x1af: {  	[sflag:s11] =	ssyncadd.s32 $0xFFFFFF80  }
0x1b0: {  	[spmem:s1] =	stream.indirect.scatter.add.f32 [tilespmem:s8], [sflag:$0x3], $0x1, s25, s7, $0xb8;
	[tilespmem:$0x1980] =	vst v63  }
0x1b1: {  	_ =	swait.ge [sflag:s12], $0x80  }
0x1b2: {  	[sflag:s12] =	ssyncset.done $0x0  }
0x1b3: {  	[sflag:s12] =	ssyncadd.s32 $0xFFFFFF80  }
0x1b4: {  	[spmem:s1] =	stream.indirect.scatter.add.f32 [tilespmem:s8], [sflag:$0x4], $0x1, s26, s7, $0xb8;
	[tilespmem:$0x1980] =	vst v63  }
0x1b5: {  	_ =	swait.ge [sflag:s9], $0x80  }
0x1b6: {  	[sflag:s9] =	ssyncset.done $0x0  }
0x1b7: {  	[sflag:s9] =	ssyncadd.s32 $0xFFFFFF80  }
0x1b8: {  	_ =	swait.ge [sflag:s10], $0x80  }
0x1b9: {  	[sflag:s10] =	ssyncset.done $0x0  }
0x1ba: {  	[sflag:s10] =	ssyncadd.s32 $0xFFFFFF80  }
0x1bb: {  	_ =	swait.ge [sflag:s11], $0x80  }
0x1bc: {  	[sflag:s11] =	ssyncset.done $0x0  }
0x1bd: {  	[sflag:s11] =	ssyncadd.s32 $0xFFFFFF80  }
0x1be: {  	_ =	swait.ge [sflag:s12], $0x80  }
0x1bf: {  	[sflag:s12] =	ssyncset.done $0x0  }
0x1c0: {  	p0 =	sne.s32 s30, $0x1;
	[sflag:s12] =	ssyncadd.s32 $0xFFFFFF80  }
.Ltmp1:
0x1c1: {  	[bflag:$0x0] =	sbarrier.arrive $0xFFFF;
	(pc) =	sbr.rel @p0 .LBB2_1-.Ltmp1, $4  }
0x1c2: {  	s31 =	rddreg [dreg:$0x4]  }
0x1c3: {  	[hbm:s31], [sflag:s28] =	dma.local [spmem:s29], $0x50  }
0x1c4: {  	_ =	swait.ge [sflag:s4], $0x50  }
0x1c5: {  	s30 =	sadd.s32 $0xFFFFFFFF, s30;
	[sflag:s4] =	ssyncset.done $0x0  }
.LBB2_2:
0x1c6: {  	[sflag:s4] =	ssyncadd.s32 $0xFFFFFFB0  }
0x1c7: {  	_ =	sfence.sel $0x180000  }
0x1c8: {  	[bflag:$0x0] =	sbarrier.arrive $0xFFFF  }
0x1c9: {  	_ =	strace $0x90000047  }
0x1ca: {  	[bflag:$0x2] =	sbarrier.arrive $0xFFFF  }
0x1cb: {  	p0 =	sne.s32 s3, $0x0;
	s0 =	rddreg [dreg:$0x2]  }
0x1cc: {  	s0 =	sadd.s32 @!p0 $0x100000, s0  }
0x1cd: {  	[sflag:s0] =	ssyncadd.tile.s32 @!p0 $0x1;
	_ =	shalt  }
.Lfunc_end2:
_tile_overlayer_lowered:
.L_overlay_start_2:
0x1ce: {  	(tag) =	ssettag $0x2  }
0x1cf: {  	s0 =	rddreg [dreg:$0x0];
	s2 =	stileid.u32  }
0x1d0: {  	s1 =	rddreg [dreg:$0x1];
	p0 =	sne.s32 s2, $0x0  }
0x1d1: {  	s3 =	rddreg [dreg:$0x2];
	[bflag:$0x3] =	sbarrier.arrive $0xFFFF;
	s2 =	simm.s32 @!p0 $0x1C05  }
0x1d2: {  	[timem:s3], [sflag:s2] =	dma.local @!p0 [hbm:s0], s1  }
0x1d3: {  	s0 =	simm.s32 @!p0 $0x5  }
0x1d4: {  	_ =	swait.ge @!p0 [sflag:s0], s1  }
0x1d5: {  	s1 =	ssub.s32 @!p0 $0x0, s1;
	[sflag:s0] =	ssyncset.done @!p0 $0x0  }
0x1d6: {  	[sflag:s0] =	ssyncadd.s32 @!p0 s1  }
0x1d7: {  	[bflag:$0x3] =	sbarrier.arrive $0xFFFF  }
0x1d8: {  	_ =	shalt  }

// kernel: kernel.9.cloned.1.call-start
scs
__scs_entry_jumppad:
0x0: {  	(pc) =	sbr.rel $0x88, $3  }
0x1: {  	(tag) =	ssettag $0x0;
	lr =	simm.s32 $0x1  }
0x2: {  	[smem:$0x3F99] =	sst lr;
	_ =	strace $0xD0000000  }
0x3: {  	_ = 	snop  }
0x4: {  	_ = 	snop  }
0x5: {  	_ = 	snop  }
0x6: {  	_ = 	snop  }
0x7: {  	_ = 	snop  }
__scs_overlays_trampoline_lowered:
0x8: {  	[smem:$0x3FA8] =	sst s0  }
0x9: {  	[smem:$0x3FA9] =	sst s1  }
0xa: {  	[smem:$0x3FAA] =	sst s2  }
0xb: {  	[smem:$0x3FAB] =	sst s3  }
0xc: {  	[smem:$0x3FAC] =	sst s4  }
0xd: {  	[smem:$0x3FAD] =	sst s5  }
0xe: {  	[smem:$0x3FAE] =	sst s6  }
0xf: {  	[smem:$0x3FAF] =	sst s7  }
0x10: {  	[smem:$0x3FB0] =	sst s8  }
0x11: {  	[smem:$0x3FB1] =	sst s9;
	s0 =	simm.s32 @!p0 $0x0  }
0x12: {  	s1 =	sld [smem:$0x3F97];
	s0 =	simm.s32 @p0 $0x1  }
0x13: {  	[smem:$0x3FB2] =	sst s0;
	s0 =	simm.s32 @!p1 $0x0  }
0x14: {  	s2 =	sld [smem:$0x3F96];
	s0 =	simm.s32 @p1 $0x1  }
0x15: {  	[smem:$0x3FB3] =	sst s0;
	s0 =	simm.s32 @!p2 $0x0  }
0x16: {  	s3 =	sld [smem:$0x3FDB];
	s0 =	simm.s32 @p2 $0x1  }
0x17: {  	s4 =	simm.s32 $0x1BF5;
	[smem:$0x3FB5] =	sst s0  }
0x18: {  	s0 =	sld [smem:$0x3F98];
	_ =	swait.ge [sflag:s4], $0x0  }
0x19: {  	s7 =	sld [smem:$0x3F99]  }
0x1a: {  	s8 =	sadd.s32 $0xFFFFE003, lr  }
0x1b: {  	s9 =	sadd.s32 $0xFFFFFEF7, lr;
	s5 =	simm.s32 $0xFFFFFFFF;
	p2 =	slt.u32 s8, $0xFFFFF086  }
0x1c: {  	p1 =	slt.u32 s9, $0xF7A;
	s5 =	simm.s32 @!p2 $0x0  }
0x1d: {  	s5 =	simm.s32 @p1 $0x1;
	p0 =	seq.s32 s7, s2  }
0x1e: {  	s7 =	smul.u32 @!p0 $0xF7A, s2;
	p2 =	seq.s32 @!p0 s5, $0x0  }
0x1f: {  	s9 =	smul.u32 $0xF7A, s1;
	s8 =	simm.s32 @!p0 $0x1BF5;
	p2 =	por !p2, p0  }
0x20: {  	[sflag:s8] =	ssyncset.s32 @!p0 $0xFFFFF086;
	s6 =	sadd.s32 @!p0 s3, s7;
	s7 =	simm.s32 @!p0 $0x108  }
0x21: {  	s3 =	sadd.s32 s3, s9;
	s6 =	sadd.s32 @!p0 $0x88, s6;
	s7 =	simm.s32 @p2 $0x1082  }
0x22: {  	[simem:s7], [sflag:s8] =	dma.local @!p0 [hbm:s6], $0xF7A  }
0x23: {  	s9 =	sor.u32 $0xD0000000, s2;
	s6 =	simm.s32 $0x108;
	_ =	swait.ge @!p0 [sflag:s8], $0x0  }
0x24: {  	s3 =	sadd.s32 $0x88, s3;
	s6 =	simm.s32 @!p1 $0x1082;
	[sflag:s4] =	ssyncset.s32 $0xFFFFF086  }
0x25: {  	[simem:s6], [sflag:s4] =	dma.local [hbm:s3], $0xF7A  }
0x26: {  	[smem:$0x3F99] =	sst s1;
	(tag) =	ssettag s2;
	_ =	strace s9  }
0x27: {  	s1 =	sld [smem:$0x3FA9]  }
0x28: {  	s2 =	sld [smem:$0x3FAA]  }
0x29: {  	s4 =	sld [smem:$0x3FAC]  }
0x2a: {  	p0 =	seq.s32 s5, $0x0;
	s5 =	sld [smem:$0x3FAD]  }
0x2b: {  	s6 =	sld [smem:$0x3FAE]  }
0x2c: {  	s7 =	sld [smem:$0x3FAF]  }
0x2d: {  	s3 =	simm.s32 $0x108;
	s8 =	sld [smem:$0x3FB0]  }
0x2e: {  	s3 =	simm.s32 @!p0 $0x1082;
	s9 =	sld [smem:$0x3FB1]  }
0x2f: {  	lr =	sadd.s32 s0, s3;
	s0 =	sld [smem:$0x3FA8]  }
0x30: {  	s3 =	sld [smem:$0x3FAB]  }
0x31: {  	[smem:$0x3FB4] =	sst s10  }
0x32: {  	s10 =	sld [smem:$0x3FB2];
	_ =	sdelay $0x3  }
0x33: {  	p0 =	seq.s32 s10, $0x1;
	s10 =	sld [smem:$0x3FB4];
	_ =	sdelay $0x3  }
0x34: {  	[smem:$0x3FB4] =	sst s10  }
0x35: {  	s10 =	sld [smem:$0x3FB3];
	_ =	sdelay $0x3  }
0x36: {  	p1 =	seq.s32 s10, $0x1;
	s10 =	sld [smem:$0x3FB4];
	_ =	sdelay $0x3  }
0x37: {  	[smem:$0x3FB4] =	sst s10  }
0x38: {  	s10 =	sld [smem:$0x3FB5]  }
0x39: {  	_ = 	snop;
	(pc) =	sbr.ind lr, $3  }
0x3a: {  	_ = 	snop  }
0x3b: {  	_ = 	snop  }
0x3c: {  	p2 =	seq.s32 s10, $0x1;
	s10 =	sld [smem:$0x3FB4]  }
0x3d: {  	_ =	shalt  }
0x3e: {  	_ =	shalt  }
0x3f: {  	_ =	shalt  }
0x40: {  	_ =	shalt  }
0x41: {  	_ =	shalt  }
0x42: {  	_ =	shalt  }
0x43: {  	_ =	shalt  }
0x44: {  	_ =	shalt  }
0x45: {  	_ =	shalt  }
0x46: {  	_ =	shalt  }
0x47: {  	_ =	shalt  }
0x48: {  	_ =	shalt  }
0x49: {  	_ =	shalt  }
0x4a: {  	_ =	shalt  }
0x4b: {  	_ =	shalt  }
0x4c: {  	_ =	shalt  }
0x4d: {  	_ =	shalt  }
0x4e: {  	_ =	shalt  }
0x4f: {  	_ =	shalt  }
0x50: {  	_ =	shalt  }
0x51: {  	_ =	shalt  }
0x52: {  	_ =	shalt  }
0x53: {  	_ =	shalt  }
0x54: {  	_ =	shalt  }
0x55: {  	_ =	shalt  }
0x56: {  	_ =	shalt  }
0x57: {  	_ =	shalt  }
0x58: {  	_ =	shalt  }
0x59: {  	_ =	shalt  }
0x5a: {  	_ =	shalt  }
0x5b: {  	_ =	shalt  }
0x5c: {  	_ =	shalt  }
0x5d: {  	_ =	shalt  }
0x5e: {  	_ =	shalt  }
0x5f: {  	_ =	shalt  }
0x60: {  	_ =	shalt  }
0x61: {  	_ =	shalt  }
0x62: {  	_ =	shalt  }
0x63: {  	_ =	shalt  }
0x64: {  	_ =	shalt  }
0x65: {  	_ =	shalt  }
0x66: {  	_ =	shalt  }
0x67: {  	_ =	shalt  }
0x68: {  	_ =	shalt  }
0x69: {  	_ =	shalt  }
0x6a: {  	_ =	shalt  }
0x6b: {  	_ =	shalt  }
0x6c: {  	_ =	shalt  }
0x6d: {  	_ =	shalt  }
0x6e: {  	_ =	shalt  }
0x6f: {  	_ =	shalt  }
0x70: {  	_ =	shalt  }
0x71: {  	_ =	shalt  }
0x72: {  	_ =	shalt  }
0x73: {  	_ =	shalt  }
0x74: {  	_ =	shalt  }
0x75: {  	_ =	shalt  }
0x76: {  	_ =	shalt  }
0x77: {  	_ =	shalt  }
0x78: {  	_ =	shalt  }
0x79: {  	_ =	shalt  }
0x7a: {  	_ =	shalt  }
0x7b: {  	_ =	shalt  }
0x7c: {  	_ =	shalt  }
0x7d: {  	_ =	shalt  }
0x7e: {  	_ =	shalt  }
0x7f: {  	_ =	shalt  }
0x80: {  	_ =	shalt  }
0x81: {  	_ =	shalt  }
0x82: {  	_ =	shalt  }
0x83: {  	_ =	shalt  }
0x84: {  	_ =	shalt  }
0x85: {  	_ =	shalt  }
0x86: {  	_ =	shalt  }
0x87: {  	_ =	shalt  }
.Lfunc_end0:
.L_simem_size_0:
called_computation.1_lowered:
.L_overlay_start_0:
0x88: {  	s2 =	sld [smem:$0x3FD9]  }
0x89: {  	s3 =	sld [smem:$0x3FFE];
	_ =	sdelay $0x1  }
0x8a: {  	s1 =	srdreg.scid  }
0x8b: {  	s0 =	sand.u32 $0x1, s1  }
0x8c: {  	s17 =	sshll.u32 s0, $0xA;
	s2 =	sadd.s32 s3, s2  }
0x8d: {  	s2 =	sadd.s32 s2, s17  }
0x8e: {  	[smem:$0x3FC0] =	sst s2  }
0x8f: {  	_ = 	snop  }
0x90: {  	s2 =	sld [smem:$0x3FD0];
	(tm) =	ssettm $0x1  }
0x91: {  	s18 =	sld [smem:$0x3FFB];
	_ =	sdelay $0x3  }
0x92: {  	_ =	strace s18  }
0x93: {  	s3 =	sld [smem:$0x3FFC];
	_ =	sdelay $0x3  }
0x94: {  	_ =	strace s3  }
0x95: {  	s3 =	sld [smem:$0x3FFD];
	_ =	sdelay $0x3  }
0x96: {  	_ =	strace s3  }
0x97: {  	_ =	strace $0x8FFFFFFF  }
0x98: {  	s19 =	sld [smem:$0x3FDB];
	_ =	sdelay $0x1  }
0x99: {  	s4 =	simm.s32 $_scs_section_size  }
0x9a: {  	s5 =	simm.s32 $_size__tile_overlayer_lowered;
	s6 =	simm.s32 $_tile_overlayer_lowered  }
0x9b: {  	s22 =	simm.s32 $0x1BFF;
	s21 =	sshll.u32 s6, $0x1;
	s3 =	sadd.s32 s4, s19  }
0x9c: {  	s7 =	simm.s32 $0x0;
	s20 =	sshll.u32 s5, $0x1;
	s5 =	sadd.s32 s21, s3  }
0x9d: {  	[timem:s7], [sflag:s22] =	dma.local [hbm:s5], s20  }
0x9e: {  	_ =	swait.ge [sflag:s22], s20  }
0x9f: {  	s4 =	ssub.s32 $0x0, s20;
	[sflag:s22] =	ssyncset.done $0x0  }
0xa0: {  	[sflag:s22] =	ssyncadd.s32 s4;
	_ =	sdelay $0x1  }
0xa1: {  	s23 =	simm.s32 $0x1B8B  }
0xa2: {  	_ =	swait.ge [sflag:s23], $0x1  }
0xa3: {  	[sflag:s23] =	ssyncset.done $0x0  }
0xa4: {  	s25 =	simm.s32 $0x1B8E;
	s24 =	sld [smem:$0x3FFE];
	[sflag:s23] =	ssyncadd.s32 $0xFFFFFFFF  }
0xa5: {  	s26 =	simm.s32 $execute0_lowered;
	[smem:$0x3FD2] =	sst s25  }
0xa6: {  	s5 =	sshll.u32 s26, $0x1;
	_ =	strace $0x80000049;
	[dreg:$0x1] =	wrdreg $0xFFFFFFFF  }
0xa7: {  	s28 =	simm.s32 $_size_execute0_lowered;
	s3 =	sadd.s32 s3, s5;
	[dreg:$0x0] =	wrdreg $0x0  }
0xa8: {  	s5 =	sshll.u32 s28, $0x1;
	[dreg:$0x2] =	wrdreg s3  }
0xa9: {  	[dreg:$0x3] =	wrdreg s5  }
0xaa: {  	[dreg:$0x4] =	wrdreg $0xC0  }
0xab: {  	_ =	task [dreg:s7], $0x5FFFF  }
0xac: {  	[dreg:$0x1] =	wrdreg $0xFFFFFFFF  }
0xad: {  	[dreg:$0x0] =	wrdreg $0x60  }
0xae: {  	[dreg:$0x2] =	wrdreg s24  }
0xaf: {  	[dreg:$0x3] =	wrdreg s2  }
0xb0: {  	[dreg:$0x4] =	wrdreg $0x0  }
0xb1: {  	[dreg:$0x5] =	wrdreg $0x9  }
0xb2: {  	_ =	task.clear_ibuf [dreg:s7], $0x6FFFF;
	_ =	strace $0x90000049  }
0xb3: {  	s29 =	simm.s32 $0x9;
	_ =	strace $0x8000004B  }
0xb4: {  	_ =	swait.ge [sflag:s29], $0x1  }
0xb5: {  	[sflag:s29] =	ssyncadd.s32 $0xFFFFFFFF  }
0xb6: {  	_ =	strace $0x9000004B  }
0xb7: {  	_ =	sfence  }
0xb8: {  	s30 =	sld [smem:$0x0];
	_ =	sdelay $0x2  }
0xb9: {  	s31 =	sshll.u32 s1, $0xD;
	s1 =	sshrl.u32 s1, $0x2  }
0xba: {  	s3 =	sand.u32 $0x4000, s31;
	s1 =	sadd.s32 s1, s30  }
0xbb: {  	s0 =	sor.u32 s3, s0;
	s1 =	sshll.u32 s1, $0x11  }
0xbc: {  	s0 =	sor.u32 s1, s0  }
0xbd: {  	s0 =	sadd.s32 $0x8F2B, s0  }
0xbe: {  	[sflag:s0] =	ssyncadd.remote.s32 $0x1  }
0xbf: {  	_ =	sfence.sel $0xFFFF  }
0xc0: {  	[dreg:$0x0] =	wrdreg $0xFFFFFFFF;
	(pc) =	sbr.abs _section_cstart, $3  }
0xc1: {  	[dreg:$0x1] =	wrdreg $0xFFFFFFFF  }
0xc2: {  	_ =	task.clear_ibuf [dreg:s7], $0x2FFFF;
	_ =	strace $0x9FFFFFFF  }
0xc3: {  	(tm) =	ssettm $0x7FFFFFFF  }
tec
execute0_lowered:
.L_overlay_start_1:
0x0: {  	(tag) =	ssettag $0x1  }
0x1: {  	s5 =	rddreg [dreg:$0x0]  }
0x2: {  	s8 =	rddreg [dreg:$0x1];
	s0 =	srdreg.scid  }
0x3: {  	s2 =	rddreg [dreg:$0x2];
	s1 =	stileid.u32  }
0x4: {  	s3 =	simm.s32 $0x0;
	s17 =	simm.s32 $0x80;
	s18 =	simm.s32 $0x16800  }
0x5: {  	s19 =	simm.s32 $0x14080;
	s20 =	simm.s32 $0x1A800;
	s21 =	simm.s32 $0x1  }
0x6: {  	s22 =	simm.s32 $0x3;
	s23 =	simm.s32 $0x2;
	s9 =	smul.u32 $0x280, s1  }
0x7: {  	s6 =	sand.u32 $0x1, s0;
	s0 =	rddreg [dreg:$0x3];
	s11 =	smul.u32 $0x2800, s1  }
0x8: {  	s28 =	simm.s32 $0x0;
	[smem:$0x7FF] =	sst s3;
	s14 =	smul.u32 $0x50000, s1  }
0x9: {  	s4 =	sadd.s32 $0x6400, s5;
	s12 =	sadd.s32 $0x1400, s5;
	s7 =	smul.u32 $0x2800, s6  }
0xa: {  	s31 =	sshll.u32 s1, $0x6;
	s10 =	smul.u32 $0x28000, s6;
	s6 =	ssub.s32 $0x2, s6  }
0xb: {  	_ =	strace $0x8000004A;
	s13 =	sshrl.u32 s6, $0x1;
	s25 =	sshrl.u32 s11, $0x3  }
0xc: {  	s26 =	sshrl.u32 s14, $0x2;
	s14 =	simm.s32 $0x15400;
	s7 =	sadd.s32 s9, s7  }
0xd: {  	s24 =	sadd.s32 s11, s10;
	s13 =	ssub.s32 s6, s13;
	s11 =	sadd.s32 $0x1400, s11  }
0xe: {  	s6 =	sadd.s32 s12, s25;
	s16 =	sadd.s32 s26, s2;
	s25 =	simm.s32 $0x16700  }
0xf: {  	s26 =	simm.s32 $0x16780;
	s7 =	sshll.u32 s7, $0x4;
	s9 =	sshrl.u32 s24, $0x3  }
0x10: {  	s29 =	sadd.s32 s10, s11;
	s30 =	sshrl.u32 s11, $0x3;
	s11 =	smax.u32 s13, $0x1  }
0x11: {  	s13 =	simm.s32 $0x5;
	s16 =	sshrl.u32 s16, $0x3;
	s24 =	simm.s32 $0x4  }
0x12: {  	s15 =	sadd.s32 s7, s5;
	s5 =	sadd.s32 s8, s9;
	s9 =	sshrl.u32 s29, $0x3  }
0x13: {  	s7 =	sadd.s32 s4, s7;
	s8 =	sadd.s32 s8, s9;
	s9 =	sadd.s32 s12, s30  }
0x14: {  	s10 =	sadd.s32 $0x56400, s15;
	s12 =	simm.s32 $0x14000;
	s15 =	sor.u32 $0x1C05, s31  }
.LBB2_1:
0x15: {  	[tilespmem:s12], [sflag:$0x5] =	stream.linear.gather [hbm4b:s5+s3], $0x1400, $0x38;
	[tilespmem:$0x1E800] =	vst v63  }
0x16: {  	_ =	swait.ge [sflag:s13], $0x1400  }
0x17: {  	[sflag:s13] =	ssyncset.done $0x0  }
0x18: {  	[sflag:s13] =	ssyncadd.s32 $0xFFFFEC00  }
0x19: {  	[tilespmem:s14], [sflag:$0x5] =	stream.linear.gather [hbm4b:s6+s3], $0x1400, $0x38;
	[tilespmem:$0x1E800] =	vst v63  }
0x1a: {  	_ =	swait.ge [sflag:s13], $0x1400  }
0x1b: {  	[sflag:s13] =	ssyncset.done $0x0  }
0x1c: {  	[sflag:s13] =	ssyncadd.s32 $0xFFFFEC00  }
0x1d: {  	[spmem:s16], [sflag:s15] =	dma.local [hbm:s7], $0x2800  }
0x1e: {  	_ =	swait.ge [sflag:s13], $0x2800  }
0x1f: {  	[sflag:s13] =	ssyncset.done $0x0  }
0x20: {  	[sflag:s13] =	ssyncadd.s32 $0xFFFFD800  }
0x21: {  	[bflag:$0x0] =	sbarrier.arrive $0xFFFF  }
0x22: {  	[tilespmem:s18], [sflag:$0x1] =	stream.indirect.gather [hbm4b:s4+s17], $0x80, s12, s17, $0xb8;
	[tilespmem:$0x1E800] =	vst v63  }
0x23: {  	_ = 	snop  }
0x24: {  	[tilespmem:s20], [sflag:$0x2] =	stream.indirect.gather [hbm4b:s4+s17], $0x80, s19, s17, $0xb8;
	[tilespmem:$0x1E800] =	vst v63  }
0x25: {  	_ =	swait.ge [sflag:s21], $0x4000  }
0x26: {  	[sflag:s21] =	ssyncset.done $0x0  }
0x27: {  	s29 =	simm.s32 $0x15400;
	[sflag:s21] =	ssyncadd.s32 $0xFFFFC000  }
0x28: {  	[spmem:s2] =	stream.indirect.scatter.add.f32 [tilespmem:s18], [sflag:$0x3], $0x80, s29, s17, $0xb8;
	[tilespmem:$0x1E800] =	vst v63  }
0x29: {  	_ =	swait.ge [sflag:s22], $0x4000  }
0x2a: {  	[sflag:s22] =	ssyncset.done $0x0  }
0x2b: {  	s29 =	simm.s32 $0x14100;
	[sflag:s22] =	ssyncadd.s32 $0xFFFFC000  }
0x2c: {  	[tilespmem:s18], [sflag:$0x1] =	stream.indirect.gather [hbm4b:s4+s17], $0x80, s29, s17, $0xb8;
	[tilespmem:$0x1E800] =	vst v63  }
0x2d: {  	_ =	swait.ge [sflag:s23], $0x4000  }
0x2e: {  	[sflag:s23] =	ssyncset.done $0x0  }
0x2f: {  	s29 =	simm.s32 $0x15480;
	[sflag:s23] =	ssyncadd.s32 $0xFFFFC000  }
0x30: {  	[spmem:s2] =	stream.indirect.scatter.add.f32 [tilespmem:s20], [sflag:$0x4], $0x80, s29, s17, $0xb8;
	[tilespmem:$0x1E800] =	vst v63  }
0x31: {  	_ =	swait.ge [sflag:s24], $0x4000  }
0x32: {  	[sflag:s24] =	ssyncset.done $0x0  }
0x33: {  	s30 =	simm.s32 $0x14180;
	s29 =	simm.s32 $0x400;
	[sflag:s24] =	ssyncadd.s32 $0xFFFFC000  }
.LBB2_2:
0x34: {  	[tilespmem:s20], [sflag:$0x2] =	stream.indirect.gather [hbm4b:s4+s17], $0x80, s30, s17, $0xb8;
	[tilespmem:$0x1E800] =	vst v63  }
0x35: {  	s30 =	smov.u32 s29  }
0x36: {  	p0 =	sne.s32 s29, $0x4800;
	s29 =	sadd.s32 $0x400, s29;
	_ =	swait.ge [sflag:s21], $0x4000  }
0x37: {  	s30 =	sshra.s32 s30, $0x2;
	[sflag:s21] =	ssyncset.done $0x0  }
0x38: {  	s31 =	sadd.s32 $0x15400, s30;
	[sflag:s21] =	ssyncadd.s32 $0xFFFFC000  }
0x39: {  	[spmem:s2] =	stream.indirect.scatter.add.f32 [tilespmem:s18], [sflag:$0x3], $0x80, s31, s17, $0xb8;
	[tilespmem:$0x1E800] =	vst v63  }
0x3a: {  	_ =	swait.ge [sflag:s22], $0x4000  }
0x3b: {  	[sflag:s22] =	ssyncset.done $0x0  }
0x3c: {  	s31 =	sadd.s32 $0x14100, s30;
	[sflag:s22] =	ssyncadd.s32 $0xFFFFC000  }
0x3d: {  	[tilespmem:s18], [sflag:$0x1] =	stream.indirect.gather [hbm4b:s4+s17], $0x80, s31, s17, $0xb8;
	[tilespmem:$0x1E800] =	vst v63  }
0x3e: {  	_ =	swait.ge [sflag:s23], $0x4000  }
0x3f: {  	[sflag:s23] =	ssyncset.done $0x0  }
.Ltmp0:
0x40: {  	s31 =	sadd.s32 $0x15480, s30;
	[sflag:s23] =	ssyncadd.s32 $0xFFFFC000;
	(pc) =	sbr.rel @p0 .LBB2_2-.Ltmp0, $4  }
0x41: {  	[spmem:s2] =	stream.indirect.scatter.add.f32 [tilespmem:s20], [sflag:$0x4], $0x80, s31, s17, $0xb8;
	[tilespmem:$0x1E800] =	vst v63  }
0x42: {  	_ =	swait.ge [sflag:s24], $0x4000  }
0x43: {  	[sflag:s24] =	ssyncset.done $0x0  }
0x44: {  	s30 =	sadd.s32 $0x14180, s30;
	[sflag:s24] =	ssyncadd.s32 $0xFFFFC000  }
0x45: {  	[tilespmem:s20], [sflag:$0x2] =	stream.indirect.gather [hbm4b:s4+s17], $0x80, s30, s17, $0xb8;
	[tilespmem:$0x1E800] =	vst v63  }
0x46: {  	_ =	swait.ge [sflag:s21], $0x4000  }
0x47: {  	[sflag:s21] =	ssyncset.done $0x0  }
0x48: {  	[sflag:s21] =	ssyncadd.s32 $0xFFFFC000  }
0x49: {  	[spmem:s2] =	stream.indirect.scatter.add.f32 [tilespmem:s18], [sflag:$0x3], $0x80, s25, s17, $0xb8;
	[tilespmem:$0x1E800] =	vst v63  }
0x4a: {  	_ =	swait.ge [sflag:s23], $0x4000  }
0x4b: {  	[sflag:s23] =	ssyncset.done $0x0  }
0x4c: {  	[sflag:s23] =	ssyncadd.s32 $0xFFFFC000  }
0x4d: {  	[spmem:s2] =	stream.indirect.scatter.add.f32 [tilespmem:s20], [sflag:$0x4], $0x80, s26, s17, $0xb8;
	[tilespmem:$0x1E800] =	vst v63  }
0x4e: {  	_ =	swait.ge [sflag:s22], $0x4000  }
0x4f: {  	[sflag:s22] =	ssyncset.done $0x0  }
0x50: {  	[sflag:s22] =	ssyncadd.s32 $0xFFFFC000  }
0x51: {  	_ =	swait.ge [sflag:s24], $0x4000  }
0x52: {  	[sflag:s24] =	ssyncset.done $0x0  }
0x53: {  	s29 =	simm.s32 $0x0;
	[sflag:s24] =	ssyncadd.s32 $0xFFFFC000  }
0x54: {  	[tilespmem:s12], [sflag:$0x5] =	stream.linear.gather [hbm4b:s8+s29], $0x1400, $0x38;
	[tilespmem:$0x1E800] =	vst v63  }
0x55: {  	_ =	swait.ge [sflag:s13], $0x1400  }
0x56: {  	[sflag:s13] =	ssyncset.done $0x0  }
0x57: {  	[sflag:s13] =	ssyncadd.s32 $0xFFFFEC00  }
0x58: {  	[tilespmem:s14], [sflag:$0x5] =	stream.linear.gather [hbm4b:s9+s29], $0x1400, $0x38;
	[tilespmem:$0x1E800] =	vst v63  }
0x59: {  	_ =	swait.ge [sflag:s13], $0x1400  }
0x5a: {  	[sflag:s13] =	ssyncset.done $0x0  }
0x5b: {  	[sflag:s13] =	ssyncadd.s32 $0xFFFFEC00  }
0x5c: {  	[tilespmem:s18], [sflag:$0x1] =	stream.indirect.gather [hbm4b:s4+s17], $0x80, s12, s17, $0xb8;
	[tilespmem:$0x1E800] =	vst v63  }
0x5d: {  	_ = 	snop  }
0x5e: {  	[tilespmem:s20], [sflag:$0x2] =	stream.indirect.gather [hbm4b:s4+s17], $0x80, s19, s17, $0xb8;
	[tilespmem:$0x1E800] =	vst v63  }
0x5f: {  	_ =	swait.ge [sflag:s21], $0x4000  }
0x60: {  	[sflag:s21] =	ssyncset.done $0x0  }
0x61: {  	s29 =	simm.s32 $0x15400;
	[sflag:s21] =	ssyncadd.s32 $0xFFFFC000  }
0x62: {  	[spmem:s2] =	stream.indirect.scatter.add.f32 [tilespmem:s18], [sflag:$0x3], $0x80, s29, s17, $0xb8;
	[tilespmem:$0x1E800] =	vst v63  }
0x63: {  	_ =	swait.ge [sflag:s22], $0x4000  }
0x64: {  	[sflag:s22] =	ssyncset.done $0x0  }
0x65: {  	s29 =	simm.s32 $0x14100;
	[sflag:s22] =	ssyncadd.s32 $0xFFFFC000  }
0x66: {  	[tilespmem:s18], [sflag:$0x1] =	stream.indirect.gather [hbm4b:s4+s17], $0x80, s29, s17, $0xb8;
	[tilespmem:$0x1E800] =	vst v63  }
0x67: {  	_ =	swait.ge [sflag:s23], $0x4000  }
0x68: {  	[sflag:s23] =	ssyncset.done $0x0  }
0x69: {  	s29 =	simm.s32 $0x15480;
	[sflag:s23] =	ssyncadd.s32 $0xFFFFC000  }
0x6a: {  	[spmem:s2] =	stream.indirect.scatter.add.f32 [tilespmem:s20], [sflag:$0x4], $0x80, s29, s17, $0xb8;
	[tilespmem:$0x1E800] =	vst v63  }
0x6b: {  	_ =	swait.ge [sflag:s24], $0x4000  }
0x6c: {  	[sflag:s24] =	ssyncset.done $0x0  }
0x6d: {  	s30 =	simm.s32 $0x14180;
	s29 =	simm.s32 $0x400;
	[sflag:s24] =	ssyncadd.s32 $0xFFFFC000  }
.LBB2_4:
0x6e: {  	[tilespmem:s20], [sflag:$0x2] =	stream.indirect.gather [hbm4b:s4+s17], $0x80, s30, s17, $0xb8;
	[tilespmem:$0x1E800] =	vst v63  }
0x6f: {  	s30 =	smov.u32 s29  }
0x70: {  	p0 =	sne.s32 s29, $0x4800;
	s29 =	sadd.s32 $0x400, s29;
	_ =	swait.ge [sflag:s21], $0x4000  }
0x71: {  	s30 =	sshra.s32 s30, $0x2;
	[sflag:s21] =	ssyncset.done $0x0  }
0x72: {  	s31 =	sadd.s32 $0x15400, s30;
	[sflag:s21] =	ssyncadd.s32 $0xFFFFC000  }
0x73: {  	[spmem:s2] =	stream.indirect.scatter.add.f32 [tilespmem:s18], [sflag:$0x3], $0x80, s31, s17, $0xb8;
	[tilespmem:$0x1E800] =	vst v63  }
0x74: {  	_ =	swait.ge [sflag:s22], $0x4000  }
0x75: {  	[sflag:s22] =	ssyncset.done $0x0  }
0x76: {  	s31 =	sadd.s32 $0x14100, s30;
	[sflag:s22] =	ssyncadd.s32 $0xFFFFC000  }
0x77: {  	[tilespmem:s18], [sflag:$0x1] =	stream.indirect.gather [hbm4b:s4+s17], $0x80, s31, s17, $0xb8;
	[tilespmem:$0x1E800] =	vst v63  }
0x78: {  	_ =	swait.ge [sflag:s23], $0x4000  }
0x79: {  	[sflag:s23] =	ssyncset.done $0x0  }
.Ltmp1:
0x7a: {  	s31 =	sadd.s32 $0x15480, s30;
	[sflag:s23] =	ssyncadd.s32 $0xFFFFC000;
	(pc) =	sbr.rel @p0 .LBB2_4-.Ltmp1, $4  }
0x7b: {  	[spmem:s2] =	stream.indirect.scatter.add.f32 [tilespmem:s20], [sflag:$0x4], $0x80, s31, s17, $0xb8;
	[tilespmem:$0x1E800] =	vst v63  }
0x7c: {  	_ =	swait.ge [sflag:s24], $0x4000  }
0x7d: {  	[sflag:s24] =	ssyncset.done $0x0  }
0x7e: {  	s30 =	sadd.s32 $0x14180, s30;
	[sflag:s24] =	ssyncadd.s32 $0xFFFFC000  }
0x7f: {  	[tilespmem:s20], [sflag:$0x2] =	stream.indirect.gather [hbm4b:s4+s17], $0x80, s30, s17, $0xb8;
	[tilespmem:$0x1E800] =	vst v63  }
0x80: {  	_ =	swait.ge [sflag:s21], $0x4000  }
0x81: {  	[sflag:s21] =	ssyncset.done $0x0  }
0x82: {  	[sflag:s21] =	ssyncadd.s32 $0xFFFFC000  }
0x83: {  	[spmem:s2] =	stream.indirect.scatter.add.f32 [tilespmem:s18], [sflag:$0x3], $0x80, s25, s17, $0xb8;
	[tilespmem:$0x1E800] =	vst v63  }
0x84: {  	_ =	swait.ge [sflag:s23], $0x4000  }
0x85: {  	[sflag:s23] =	ssyncset.done $0x0  }
0x86: {  	[sflag:s23] =	ssyncadd.s32 $0xFFFFC000  }
0x87: {  	[spmem:s2] =	stream.indirect.scatter.add.f32 [tilespmem:s20], [sflag:$0x4], $0x80, s26, s17, $0xb8;
	[tilespmem:$0x1E800] =	vst v63  }
0x88: {  	_ =	swait.ge [sflag:s22], $0x4000  }
0x89: {  	[sflag:s22] =	ssyncset.done $0x0  }
0x8a: {  	[sflag:s22] =	ssyncadd.s32 $0xFFFFC000  }
0x8b: {  	_ =	swait.ge [sflag:s24], $0x4000  }
0x8c: {  	s28 =	sadd.s32 $0x1, s28;
	[sflag:s24] =	ssyncset.done $0x0  }
0x8d: {  	p0 =	sne.s32 s28, s11;
	[sflag:s24] =	ssyncadd.s32 $0xFFFFC000  }
.Ltmp2:
0x8e: {  	[bflag:$0x0] =	sbarrier.arrive $0xFFFF;
	(pc) =	sbr.rel @p0 .LBB2_1-.Ltmp2, $4  }
0x8f: {  	[hbm:s10], [sflag:s15] =	dma.local [spmem:s16], $0x2800  }
0x90: {  	_ =	swait.ge [sflag:s13], $0x2800  }
0x91: {  	[sflag:s13] =	ssyncset.done $0x0  }
0x92: {  	[sflag:s13] =	ssyncadd.s32 $0xFFFFD800  }
0x93: {  	_ =	sfence.sel $0x180000  }
0x94: {  	[bflag:$0x0] =	sbarrier.arrive $0xFFFF  }
0x95: {  	p0 =	sne.s32 s1, $0x0;
	_ =	strace $0x9000004A  }
0x96: {  	s0 =	sadd.s32 @!p0 $0x100000, s0;
	[bflag:$0x2] =	sbarrier.arrive $0xFFFF  }
0x97: {  	[sflag:s0] =	ssyncadd.tile.s32 @!p0 $0x1;
	_ =	shalt  }
.Lfunc_end2:
_tile_overlayer_lowered:
.L_overlay_start_2:
0x98: {  	(tag) =	ssettag $0x2  }
0x99: {  	s0 =	rddreg [dreg:$0x0];
	s2 =	stileid.u32  }
0x9a: {  	s1 =	rddreg [dreg:$0x1];
	p0 =	sne.s32 s2, $0x0  }
0x9b: {  	s3 =	rddreg [dreg:$0x2];
	[bflag:$0x3] =	sbarrier.arrive $0xFFFF;
	s2 =	simm.s32 @!p0 $0x1C05  }
0x9c: {  	[timem:s3], [sflag:s2] =	dma.local @!p0 [hbm:s0], s1  }
0x9d: {  	s0 =	simm.s32 @!p0 $0x5  }
0x9e: {  	_ =	swait.ge @!p0 [sflag:s0], s1  }
0x9f: {  	s1 =	ssub.s32 @!p0 $0x0, s1;
	[sflag:s0] =	ssyncset.done @!p0 $0x0  }
0xa0: {  	[sflag:s0] =	ssyncadd.s32 @!p0 s1  }
0xa1: {  	[bflag:$0x3] =	sbarrier.arrive $0xFFFF  }
0xa2: {  	_ =	shalt  }

</sc_bundles>
